<compile_context>
chip_gen: v7x
topology: tpu7x:2x2x1
jax: 0.10.2.dev20260603
libtpu: 0.0.44.dev20260713+nightly
codegen_flags: <defaults>
</compile_context>

<pallas_src>
import functools
import math

import jax
import jax.numpy as jnp
from jax import lax
from jax.experimental import pallas as pl
from jax.experimental.pallas import tpu as pltpu
from jax.experimental.pallas import tpu_sc as plsc

NC = 2
NS = 16
NW = NC * NS
CHUNK = 128


def _mesh():
    return plsc.VectorSubcoreMesh(core_axis_name="c", subcore_axis_name="s")


def _deg_sc(dst2, ones_hbm, zeros_hbm, n, k_chunks):
    n_pad = zeros_hbm.shape[0]
    rz = n_pad // NS

    @functools.partial(
        pl.kernel,
        out_type=jax.ShapeDtypeStruct((NC, n_pad, 16), jnp.float32),
        mesh=_mesh(),
        scratch_types=[
            pltpu.VMEM((1, CHUNK), jnp.int32),
            pltpu.VMEM((CHUNK, 16), jnp.float32),
            pltpu.VMEM_SHARED((n_pad, 16), jnp.float32),
            pltpu.SemaphoreType.DMA,
        ],
    )
    def deg_kernel(dst_hbm, ones_h, zeros_h, out_hbm, idx_v, ones_v, acc, sem):
        cid = lax.axis_index("c")
        sid = lax.axis_index("s")
        wid = cid * NS + sid
        pltpu.sync_copy(zeros_h.at[pl.ds(sid * rz, rz)], acc.at[pl.ds(sid * rz, rz)])
        pltpu.sync_copy(ones_h, ones_v)
        plsc.subcore_barrier()

        @pl.loop(0, k_chunks)
        def _(k):
            row = wid * k_chunks + k
            pltpu.sync_copy(dst_hbm.at[pl.ds(row, 1)], idx_v)
            pltpu.sync_copy(ones_v, acc.at[idx_v.at[0]], add=True)

        plsc.subcore_barrier()
        pltpu.sync_copy(acc.at[pl.ds(sid * rz, rz)],
                        out_hbm.at[cid].at[pl.ds(sid * rz, rz)])

    return deg_kernel(dst2, ones_hbm, zeros_hbm)


def _agg_sc(hs_pad, src2, dst2, zeros_hbm, n, d, k_chunks):
    n_pad = zeros_hbm.shape[0]
    rz = n_pad // NS

    @functools.partial(
        pl.kernel,
        out_type=jax.ShapeDtypeStruct((NC, n_pad, d), jnp.float32),
        mesh=_mesh(),
        scratch_types=[
            pltpu.VMEM((1, CHUNK), jnp.int32),
            pltpu.VMEM((1, CHUNK), jnp.int32),
            pltpu.VMEM((CHUNK, d), jnp.float32),
            pltpu.VMEM_SHARED((n_pad, d), jnp.float32),
            pltpu.SemaphoreType.DMA,
        ],
    )
    def agg_kernel(hs_hbm, src_hbm, dst_hbm, zeros_h, out_hbm,
                   sidx, didx, rows, acc, sem):
        cid = lax.axis_index("c")
        sid = lax.axis_index("s")
        wid = cid * NS + sid
        base_k = wid * k_chunks

        pltpu.sync_copy(zeros_h.at[pl.ds(sid * rz, rz)], acc.at[pl.ds(sid * rz, rz)])
        plsc.subcore_barrier()

        @pl.loop(0, k_chunks)
        def _(k):
            pltpu.sync_copy(src_hbm.at[pl.ds(base_k + k, 1)], sidx)
            pltpu.sync_copy(dst_hbm.at[pl.ds(base_k + k, 1)], didx)
            pltpu.async_copy(hs_hbm.at[sidx.at[0]], rows, sem).wait()
            pltpu.sync_copy(rows, acc.at[didx.at[0]], add=True)

        plsc.subcore_barrier()
        pltpu.sync_copy(acc.at[pl.ds(sid * rz, rz)],
                        out_hbm.at[cid].at[pl.ds(sid * rz, rz)])

    return agg_kernel(hs_pad, src2, dst2, zeros_hbm)


def _matmul_tc(x, W):
    n, d_in = x.shape
    d_out = W.shape[0]

    def mm(x_ref, w_ref, o_ref):
        o_ref[...] = lax.dot_general(
            x_ref[...], w_ref[...],
            dimension_numbers=(((1,), (1,)), ((), ())),
            preferred_element_type=jnp.float32)

    return pl.pallas_call(
        mm, out_shape=jax.ShapeDtypeStruct((n, d_out), jnp.float32))(x, W)


def _scale_tc(h, degp, n_rows_pad):
    n, d = h.shape

    def scale(h_ref, degp_ref, o_ref):
        deg = degp_ref[0, 0:n, 0:1] + degp_ref[1, 0:n, 0:1] + 1.0
        o_ref[0:n, :] = h_ref[...] * lax.rsqrt(deg)
        o_ref[n:n_rows_pad, :] = jnp.zeros((n_rows_pad - n, d), jnp.float32)

    return pl.pallas_call(
        scale, out_shape=jax.ShapeDtypeStruct((n_rows_pad, d), jnp.float32))(h, degp)


def _final_tc(accp, hs_pad, degp, x, b, gamma, beta):
    n, d = x.shape
    bn_scale = float(1.0 / math.sqrt(1.0 + 1e-5))

    def final(accp_ref, hs_ref, degp_ref, x_ref, b_ref, g_ref, be_ref, o_ref):
        s = accp_ref[0, 0:n, :] + accp_ref[1, 0:n, :]
        deg = degp_ref[0, 0:n, 0:1] + degp_ref[1, 0:n, 0:1] + 1.0
        dinv = lax.rsqrt(deg)
        agg = (s + hs_ref[0:n, :]) * dinv
        y = (agg + b_ref[...]) * bn_scale * g_ref[...] + be_ref[...]
        o_ref[...] = jnp.maximum(y, 0.0) + x_ref[...]

    return pl.pallas_call(
        final, out_shape=jax.ShapeDtypeStruct((n, d), jnp.float32))(
            accp, hs_pad, degp, x,
            b.reshape(1, d), gamma.reshape(1, d), beta.reshape(1, d))


def kernel(x, edge_index, W, b, gamma, beta):
    n, d_in = x.shape
    d_out = W.shape[0]
    e = edge_index.shape[1]

    k_chunks = -(-e // (NW * CHUNK))
    e_pad = NW * k_chunks * CHUNK
    pad = e_pad - e
    src = jnp.concatenate([edge_index[0], jnp.full((pad,), n, jnp.int32)])
    dst = jnp.concatenate([edge_index[1], jnp.full((pad,), n, jnp.int32)])
    src2 = src.reshape(NW * k_chunks, CHUNK)
    dst2 = dst.reshape(NW * k_chunks, CHUNK)

    n_pad = -(-n // (8 * NS)) * (8 * NS)
    zeros16 = jnp.zeros((n_pad, 16), jnp.float32)
    zeros_d = jnp.zeros((n_pad, d_out), jnp.float32)
    ones16 = jnp.ones((CHUNK, 16), jnp.float32)

    degp = _deg_sc(dst2, ones16, zeros16, n, k_chunks)
    h = _matmul_tc(x, W)
    hs_pad = _scale_tc(h, degp, n + 8)
    accp = _agg_sc(hs_pad, src2, dst2, zeros_d, n, d_out, k_chunks)
    return _final_tc(accp, hs_pad, degp, x, b, gamma, beta)

# --- scband reference (transcript-rebuilt; emitter-appended) ---
"""Pipeline reference for scband-gnnblock-88390426952001 (READ-ONLY COPY).

The authoritative reference and input builder live on the scoring server;
editing this copy changes nothing except your own understanding.
"""

import jax, jax.numpy as jnp
import numpy as np

N = 10000
E = 320000
D_IN = 128
D_OUT = 128


def setup_inputs(seed: int = 0) -> dict:
    key = jax.random.key(seed)
    k1, k2, k3 = jax.random.split(key, 3)
    x = jax.random.normal(k1, (N, D_IN), dtype=jnp.float32)
    edge_index = jax.random.randint(k2, (2, E), 0, N, dtype=jnp.int32)
    # GCNConv linear weight (PyG stores as [out_channels, in_channels]) + bias
    W = (jax.random.normal(k3, (D_OUT, D_IN), dtype=jnp.float32) * 0.05)
    b = jnp.zeros((D_OUT,), dtype=jnp.float32)
    # BatchNorm1d affine params (eval mode: running_mean=0, running_var=1)
    gamma = jnp.ones((D_OUT,), dtype=jnp.float32)
    beta = jnp.zeros((D_OUT,), dtype=jnp.float32)
    return {"x": x, "edge_index": edge_index, "W": W, "b": b, "gamma": gamma, "beta": beta}


def reference(x, edge_index, W, b, gamma, beta):
    n = x.shape[0]
    # --- GCNConv: add self-loops, symmetric normalization ---
    loop = jnp.arange(n, dtype=edge_index.dtype)
    src = jnp.concatenate([edge_index[0], loop])
    dst = jnp.concatenate([edge_index[1], loop])
    deg = jnp.zeros((n,), dtype=x.dtype).at[dst].add(1.0)
    deg_inv_sqrt = jnp.where(deg > 0, jax.lax.rsqrt(deg), 0.0)
    norm = deg_inv_sqrt[src] * deg_inv_sqrt[dst]
    h = x @ W.T                       # linear transform first (as PyG GCNConv)
    msg = h[src] * norm[:, None]      # gather + scale messages
    agg = jnp.zeros((n, h.shape[1]), dtype=x.dtype).at[dst].add(msg)  # scatter-add
    out = agg + b
    # --- BatchNorm1d (eval mode: running_mean=0, running_var=1) ---
    eps = 1e-5
    out = (out - 0.0) / jnp.sqrt(1.0 + eps) * gamma + beta
    # --- ReLU ---
    out = jax.nn.relu(out)
    # --- Dropout: identity in eval mode ---
    # --- Residual (same dims: in_channels == out_channels) ---
    out = out + x
    return out

if __name__ == "__main__":
    import jax
    _d = setup_inputs()
    print(jax.jit(kernel)(*tuple(_d.values())))

</pallas_src>

<mosaic_0001>
#map = affine_map<(d0, d1) -> (0, 0)>
#map1 = affine_map<(d0, d1) -> (0, 0, 0)>
module attributes {stable_mosaic.version = 14 : i64} {
  func.func @deg_kernel(%arg0: i32, %arg1: i32, %arg2: memref<2528x128xi32, #tpu.memory_space<hbm>>, %arg3: memref<128x16xf32, #tpu.memory_space<hbm>>, %arg4: memref<10112x16xf32, #tpu.memory_space<hbm>>, %arg5: memref<2x10112x16xf32, #tpu.memory_space<hbm>>, %arg6: memref<1x128xi32, #tpu.memory_space<vmem>>, %arg7: memref<128x16xf32, #tpu.memory_space<vmem>>, %arg8: memref<10112x16xf32, #tpu.memory_space<vmem_shared>>, %arg9: memref<!tpu.dma_semaphore, #tpu.memory_space<semaphore_mem>>) attributes {dimension_semantics = [#tpu.dimension_semantics<core_parallel>, #tpu.dimension_semantics<subcore_parallel>], iteration_bounds = array<i64: 2, 16>, scalar_prefetch = 0 : i64, scratch_operands = 4 : i64, tpu.core_type = #tpu.core_type<sc_vector_subcore>, window_params = [{transform_indices = #map}, {transform_indices = #map}, {transform_indices = #map}, {transform_indices = #map1}]} {
    %mul3A = arith.constant 16 : i32
    %mul3A_0 = arith.muli %arg0, %mul3A : i32
    %add3A = arith.addi %mul3A_0, %arg1 : i32
    %mul3A_1 = arith.constant 632 : i32
    %mul3A_2 = arith.muli %arg1, %mul3A_1 : i32
    %mul3A_3 = arith.constant 632 : i32
    %mul3A_4 = arith.muli %arg1, %mul3A_3 : i32
    "tpu.region"() ({
      %run_scoped3A = tpu.sem_alloc : memref<!tpu.dma_semaphore, #tpu.memory_space<semaphore_mem>>
      %dma_start3A = arith.constant 0 : i32
      %dma_start3A_14 = tpu.memref_slice %arg8[%mul3A_4, %dma_start3A] : memref<10112x16xf32, #tpu.memory_space<vmem_shared>> -> memref<632x16xf32, #tpu.memory_space<vmem_shared>>
      %dma_start3A_15 = arith.constant 0 : i32
      %dma_start3A_16 = tpu.memref_slice %arg4[%mul3A_2, %dma_start3A_15] : memref<10112x16xf32, #tpu.memory_space<hbm>> -> memref<632x16xf32, #tpu.memory_space<hbm>>
      tpu.enqueue_dma source(%dma_start3A_16 : memref<632x16xf32, #tpu.memory_space<hbm>>) target(%dma_start3A_14 : memref<632x16xf32, #tpu.memory_space<vmem_shared>>) target_semaphore(%run_scoped3A : memref<!tpu.dma_semaphore, #tpu.memory_space<semaphore_mem>>)
      %dma_wait3A = arith.constant 0 : i32
      %dma_wait3A_17 = tpu.memref_slice %arg8[%mul3A_4, %dma_wait3A] : memref<10112x16xf32, #tpu.memory_space<vmem_shared>> -> memref<632x16xf32, #tpu.memory_space<vmem_shared>>
      %dma_wait3A_18 = arith.constant 0 : i32
      %dma_wait3A_19 = tpu.memref_slice %arg4[%mul3A_2, %dma_wait3A_18] : memref<10112x16xf32, #tpu.memory_space<hbm>> -> memref<632x16xf32, #tpu.memory_space<hbm>>
      tpu.wait_dma2 semaphore(%run_scoped3A : memref<!tpu.dma_semaphore, #tpu.memory_space<semaphore_mem>>) src(%dma_wait3A_19 : memref<632x16xf32, #tpu.memory_space<hbm>>) dst(%dma_wait3A_17 : memref<632x16xf32, #tpu.memory_space<vmem_shared>>)
      tpu.yield
    }) : () -> ()
    "tpu.region"() ({
      %run_scoped3A = tpu.sem_alloc : memref<!tpu.dma_semaphore, #tpu.memory_space<semaphore_mem>>
      tpu.enqueue_dma source(%arg3 : memref<128x16xf32, #tpu.memory_space<hbm>>) target(%arg7 : memref<128x16xf32, #tpu.memory_space<vmem>>) target_semaphore(%run_scoped3A : memref<!tpu.dma_semaphore, #tpu.memory_space<semaphore_mem>>)
      tpu.wait_dma2 semaphore(%run_scoped3A : memref<!tpu.dma_semaphore, #tpu.memory_space<semaphore_mem>>) src(%arg3 : memref<128x16xf32, #tpu.memory_space<hbm>>) dst(%arg7 : memref<128x16xf32, #tpu.memory_space<vmem>>)
      tpu.yield
    }) : () -> ()
    %barrier3A = arith.constant 0 : index
    tpu.barrier barrier_id(%barrier3A)
    %scan3A = arith.constant 0 : i32
    %scan3A_5 = arith.constant 79 : i32
    %scan3A_6 = arith.addi %scan3A, %scan3A_5 : i32
    %scan3A_7 = arith.constant 1 : i32
    scf.for %scan3A_14 = %scan3A to %scan3A_6 step %scan3A_7  : i32 {
      %mul3A_15 = arith.constant 1 : i32
      %mul3A_16 = arith.muli %scan3A_14, %mul3A_15 : i32
      %add3A_17 = arith.constant 0 : i32
      %add3A_18 = arith.addi %add3A_17, %mul3A_16 : i32
      %mul3A_19 = arith.constant 79 : i32
      %mul3A_20 = arith.muli %add3A, %mul3A_19 : i32
      %add3A_21 = arith.addi %mul3A_20, %add3A_18 : i32
      "tpu.region"() ({
        %run_scoped3A_22 = tpu.sem_alloc : memref<!tpu.dma_semaphore, #tpu.memory_space<semaphore_mem>>
        %dma_start3A = arith.constant 0 : i32
        %dma_start3A_23 = tpu.memref_slice %arg2[%add3A_21, %dma_start3A] : memref<2528x128xi32, #tpu.memory_space<hbm>> -> memref<1x128xi32, #tpu.memory_space<hbm>>
        %dma_start3A_24 = arith.constant 0 : i32
        %dma_start3A_25 = tpu.memref_slice %arg2[%add3A_21, %dma_start3A_24] : memref<2528x128xi32, #tpu.memory_space<hbm>> -> memref<1x128xi32, #tpu.memory_space<hbm>>
        tpu.enqueue_dma source(%dma_start3A_25 : memref<1x128xi32, #tpu.memory_space<hbm>>) target(%arg6 : memref<1x128xi32, #tpu.memory_space<vmem>>) target_semaphore(%run_scoped3A_22 : memref<!tpu.dma_semaphore, #tpu.memory_space<semaphore_mem>>)
        %dma_wait3A = arith.constant 0 : i32
        %dma_wait3A_26 = tpu.memref_slice %arg2[%add3A_21, %dma_wait3A] : memref<2528x128xi32, #tpu.memory_space<hbm>> -> memref<1x128xi32, #tpu.memory_space<hbm>>
        %dma_wait3A_27 = arith.constant 0 : i32
        %dma_wait3A_28 = tpu.memref_slice %arg2[%add3A_21, %dma_wait3A_27] : memref<2528x128xi32, #tpu.memory_space<hbm>> -> memref<1x128xi32, #tpu.memory_space<hbm>>
        tpu.wait_dma2 semaphore(%run_scoped3A_22 : memref<!tpu.dma_semaphore, #tpu.memory_space<semaphore_mem>>) src(%dma_wait3A_28 : memref<1x128xi32, #tpu.memory_space<hbm>>) dst(%arg6 : memref<1x128xi32, #tpu.memory_space<vmem>>)
        tpu.yield
      }) : () -> ()
      %run_scoped3A = arith.constant 0 : i32
      "tpu.region"() ({
        %run_scoped3A_22 = tpu.sem_alloc : memref<!tpu.dma_semaphore, #tpu.memory_space<semaphore_mem>>
        %dma_start3A = arith.constant 0 : i32
        %dma_start3A_23 = tpu.memref_slice %arg6[%run_scoped3A, %dma_start3A] : memref<1x128xi32, #tpu.memory_space<vmem>> -> memref<1x128xi32, #tpu.memory_space<vmem>>
        %dma_start3A_24 = tpu.memref_squeeze %dma_start3A_23 : memref<1x128xi32, #tpu.memory_space<vmem>> -> memref<128xi32, #tpu.memory_space<vmem>>
        %dma_start3A_25 = arith.constant 0 : i32
        %dma_start3A_26 = arith.constant 0 : i32
        %dma_start3A_27 = tpu.memref_slice %arg8[%dma_start3A_25, %dma_start3A_26] : memref<10112x16xf32, #tpu.memory_space<vmem_shared>> -> memref<10112x16xf32, #tpu.memory_space<vmem_shared>>
        tpu.enqueue_indirect_dma source(%arg7 : memref<128x16xf32, #tpu.memory_space<vmem>>) target(%dma_start3A_27 : memref<10112x16xf32, #tpu.memory_space<vmem_shared>>) offsets(%dma_start3A_24 : memref<128xi32, #tpu.memory_space<vmem>>) semaphore(%run_scoped3A_22 : memref<!tpu.dma_semaphore, #tpu.memory_space<semaphore_mem>>) {add = true}
        %dma_wait3A = arith.constant 0 : i32
        %dma_wait3A_28 = tpu.memref_slice %arg6[%run_scoped3A, %dma_wait3A] : memref<1x128xi32, #tpu.memory_space<vmem>> -> memref<1x128xi32, #tpu.memory_space<vmem>>
        %dma_wait3A_29 = tpu.memref_squeeze %dma_wait3A_28 : memref<1x128xi32, #tpu.memory_space<vmem>> -> memref<128xi32, #tpu.memory_space<vmem>>
        %dma_wait3A_30 = arith.constant 0 : i32
        %dma_wait3A_31 = arith.constant 0 : i32
        %dma_wait3A_32 = tpu.memref_slice %arg8[%dma_wait3A_30, %dma_wait3A_31] : memref<10112x16xf32, #tpu.memory_space<vmem_shared>> -> memref<10112x16xf32, #tpu.memory_space<vmem_shared>>
        tpu.wait_indirect_dma semaphore(%run_scoped3A_22 : memref<!tpu.dma_semaphore, #tpu.memory_space<semaphore_mem>>) src(%arg7 : memref<128x16xf32, #tpu.memory_space<vmem>>) dst(%dma_wait3A_32 : memref<10112x16xf32, #tpu.memory_space<vmem_shared>>)
        tpu.yield
      }) : () -> ()
    }
    %scan3A_8 = arith.constant 79 : i32
    %barrier3A_9 = arith.constant 0 : index
    tpu.barrier barrier_id(%barrier3A_9)
    %mul3A_10 = arith.constant 632 : i32
    %mul3A_11 = arith.muli %arg1, %mul3A_10 : i32
    %mul3A_12 = arith.constant 632 : i32
    %mul3A_13 = arith.muli %arg1, %mul3A_12 : i32
    "tpu.region"() ({
      %run_scoped3A = tpu.sem_alloc : memref<!tpu.dma_semaphore, #tpu.memory_space<semaphore_mem>>
      %dma_start3A = arith.constant 0 : i32
      %dma_start3A_14 = arith.constant 0 : i32
      %dma_start3A_15 = tpu.memref_slice %arg5[%arg0, %dma_start3A, %dma_start3A_14] : memref<2x10112x16xf32, #tpu.memory_space<hbm>> -> memref<1x10112x16xf32, #tpu.memory_space<hbm>>
      %dma_start3A_16 = tpu.memref_squeeze %dma_start3A_15 : memref<1x10112x16xf32, #tpu.memory_space<hbm>> -> memref<10112x16xf32, #tpu.memory_space<hbm>>
      %dma_start3A_17 = arith.constant 0 : i32
      %dma_start3A_18 = tpu.memref_slice %dma_start3A_16[%mul3A_13, %dma_start3A_17] : memref<10112x16xf32, #tpu.memory_space<hbm>> -> memref<632x16xf32, #tpu.memory_space<hbm>>
      %dma_start3A_19 = arith.constant 0 : i32
      %dma_start3A_20 = tpu.memref_slice %arg8[%mul3A_11, %dma_start3A_19] : memref<10112x16xf32, #tpu.memory_space<vmem_shared>> -> memref<632x16xf32, #tpu.memory_space<vmem_shared>>
      tpu.enqueue_dma source(%dma_start3A_20 : memref<632x16xf32, #tpu.memory_space<vmem_shared>>) target(%dma_start3A_18 : memref<632x16xf32, #tpu.memory_space<hbm>>) target_semaphore(%run_scoped3A : memref<!tpu.dma_semaphore, #tpu.memory_space<semaphore_mem>>)
      %dma_wait3A = arith.constant 0 : i32
      %dma_wait3A_21 = arith.constant 0 : i32
      %dma_wait3A_22 = tpu.memref_slice %arg5[%arg0, %dma_wait3A, %dma_wait3A_21] : memref<2x10112x16xf32, #tpu.memory_space<hbm>> -> memref<1x10112x16xf32, #tpu.memory_space<hbm>>
      %dma_wait3A_23 = tpu.memref_squeeze %dma_wait3A_22 : memref<1x10112x16xf32, #tpu.memory_space<hbm>> -> memref<10112x16xf32, #tpu.memory_space<hbm>>
      %dma_wait3A_24 = arith.constant 0 : i32
      %dma_wait3A_25 = tpu.memref_slice %dma_wait3A_23[%mul3A_13, %dma_wait3A_24] : memref<10112x16xf32, #tpu.memory_space<hbm>> -> memref<632x16xf32, #tpu.memory_space<hbm>>
      %dma_wait3A_26 = arith.constant 0 : i32
      %dma_wait3A_27 = tpu.memref_slice %arg8[%mul3A_11, %dma_wait3A_26] : memref<10112x16xf32, #tpu.memory_space<vmem_shared>> -> memref<632x16xf32, #tpu.memory_space<vmem_shared>>
      tpu.wait_dma2 semaphore(%run_scoped3A : memref<!tpu.dma_semaphore, #tpu.memory_space<semaphore_mem>>) src(%dma_wait3A_27 : memref<632x16xf32, #tpu.memory_space<vmem_shared>>) dst(%dma_wait3A_25 : memref<632x16xf32, #tpu.memory_space<hbm>>)
      tpu.yield
    }) : () -> ()
    return
  }
}

#map = affine_map<(d0, d1) -> (0, 0)>
#map1 = affine_map<(d0, d1) -> (0, 0, 0)>
module attributes {stable_mosaic.version = 14 : i64} {
  func.func @agg_kernel(%arg0: i32, %arg1: i32, %arg2: memref<10008x128xf32, #tpu.memory_space<hbm>>, %arg3: memref<2528x128xi32, #tpu.memory_space<hbm>>, %arg4: memref<2528x128xi32, #tpu.memory_space<hbm>>, %arg5: memref<10112x128xf32, #tpu.memory_space<hbm>>, %arg6: memref<2x10112x128xf32, #tpu.memory_space<hbm>>, %arg7: memref<1x128xi32, #tpu.memory_space<vmem>>, %arg8: memref<1x128xi32, #tpu.memory_space<vmem>>, %arg9: memref<128x128xf32, #tpu.memory_space<vmem>>, %arg10: memref<10112x128xf32, #tpu.memory_space<vmem_shared>>, %arg11: memref<!tpu.dma_semaphore, #tpu.memory_space<semaphore_mem>>) attributes {dimension_semantics = [#tpu.dimension_semantics<core_parallel>, #tpu.dimension_semantics<subcore_parallel>], iteration_bounds = array<i64: 2, 16>, scalar_prefetch = 0 : i64, scratch_operands = 5 : i64, tpu.core_type = #tpu.core_type<sc_vector_subcore>, window_params = [{transform_indices = #map}, {transform_indices = #map}, {transform_indices = #map}, {transform_indices = #map}, {transform_indices = #map1}]} {
    %mul3A = arith.constant 16 : i32
    %mul3A_0 = arith.muli %arg0, %mul3A : i32
    %add3A = arith.addi %mul3A_0, %arg1 : i32
    %mul3A_1 = arith.constant 79 : i32
    %mul3A_2 = arith.muli %add3A, %mul3A_1 : i32
    %mul3A_3 = arith.constant 632 : i32
    %mul3A_4 = arith.muli %arg1, %mul3A_3 : i32
    %mul3A_5 = arith.constant 632 : i32
    %mul3A_6 = arith.muli %arg1, %mul3A_5 : i32
    "tpu.region"() ({
      %run_scoped3A = tpu.sem_alloc : memref<!tpu.dma_semaphore, #tpu.memory_space<semaphore_mem>>
      %dma_start3A = arith.constant 0 : i32
      %dma_start3A_16 = tpu.memref_slice %arg10[%mul3A_6, %dma_start3A] : memref<10112x128xf32, #tpu.memory_space<vmem_shared>> -> memref<632x128xf32, #tpu.memory_space<vmem_shared>>
      %dma_start3A_17 = arith.constant 0 : i32
      %dma_start3A_18 = tpu.memref_slice %arg5[%mul3A_4, %dma_start3A_17] : memref<10112x128xf32, #tpu.memory_space<hbm>> -> memref<632x128xf32, #tpu.memory_space<hbm>>
      tpu.enqueue_dma source(%dma_start3A_18 : memref<632x128xf32, #tpu.memory_space<hbm>>) target(%dma_start3A_16 : memref<632x128xf32, #tpu.memory_space<vmem_shared>>) target_semaphore(%run_scoped3A : memref<!tpu.dma_semaphore, #tpu.memory_space<semaphore_mem>>)
      %dma_wait3A = arith.constant 0 : i32
      %dma_wait3A_19 = tpu.memref_slice %arg10[%mul3A_6, %dma_wait3A] : memref<10112x128xf32, #tpu.memory_space<vmem_shared>> -> memref<632x128xf32, #tpu.memory_space<vmem_shared>>
      %dma_wait3A_20 = arith.constant 0 : i32
      %dma_wait3A_21 = tpu.memref_slice %arg5[%mul3A_4, %dma_wait3A_20] : memref<10112x128xf32, #tpu.memory_space<hbm>> -> memref<632x128xf32, #tpu.memory_space<hbm>>
      tpu.wait_dma2 semaphore(%run_scoped3A : memref<!tpu.dma_semaphore, #tpu.memory_space<semaphore_mem>>) src(%dma_wait3A_21 : memref<632x128xf32, #tpu.memory_space<hbm>>) dst(%dma_wait3A_19 : memref<632x128xf32, #tpu.memory_space<vmem_shared>>)
      tpu.yield
    }) : () -> ()
    %barrier3A = arith.constant 0 : index
    tpu.barrier barrier_id(%barrier3A)
    %scan3A = arith.constant 0 : i32
    %scan3A_7 = arith.constant 79 : i32
    %scan3A_8 = arith.addi %scan3A, %scan3A_7 : i32
    %scan3A_9 = arith.constant 1 : i32
    scf.for %scan3A_16 = %scan3A to %scan3A_8 step %scan3A_9  : i32 {
      %mul3A_17 = arith.constant 1 : i32
      %mul3A_18 = arith.muli %scan3A_16, %mul3A_17 : i32
      %add3A_19 = arith.constant 0 : i32
      %add3A_20 = arith.addi %add3A_19, %mul3A_18 : i32
      %add3A_21 = arith.addi %mul3A_2, %add3A_20 : i32
      "tpu.region"() ({
        %run_scoped3A_35 = tpu.sem_alloc : memref<!tpu.dma_semaphore, #tpu.memory_space<semaphore_mem>>
        %dma_start3A_36 = arith.constant 0 : i32
        %dma_start3A_37 = tpu.memref_slice %arg3[%add3A_21, %dma_start3A_36] : memref<2528x128xi32, #tpu.memory_space<hbm>> -> memref<1x128xi32, #tpu.memory_space<hbm>>
        %dma_start3A_38 = arith.constant 0 : i32
        %dma_start3A_39 = tpu.memref_slice %arg3[%add3A_21, %dma_start3A_38] : memref<2528x128xi32, #tpu.memory_space<hbm>> -> memref<1x128xi32, #tpu.memory_space<hbm>>
        tpu.enqueue_dma source(%dma_start3A_39 : memref<1x128xi32, #tpu.memory_space<hbm>>) target(%arg7 : memref<1x128xi32, #tpu.memory_space<vmem>>) target_semaphore(%run_scoped3A_35 : memref<!tpu.dma_semaphore, #tpu.memory_space<semaphore_mem>>)
        %dma_wait3A_40 = arith.constant 0 : i32
        %dma_wait3A_41 = tpu.memref_slice %arg3[%add3A_21, %dma_wait3A_40] : memref<2528x128xi32, #tpu.memory_space<hbm>> -> memref<1x128xi32, #tpu.memory_space<hbm>>
        %dma_wait3A_42 = arith.constant 0 : i32
        %dma_wait3A_43 = tpu.memref_slice %arg3[%add3A_21, %dma_wait3A_42] : memref<2528x128xi32, #tpu.memory_space<hbm>> -> memref<1x128xi32, #tpu.memory_space<hbm>>
        tpu.wait_dma2 semaphore(%run_scoped3A_35 : memref<!tpu.dma_semaphore, #tpu.memory_space<semaphore_mem>>) src(%dma_wait3A_43 : memref<1x128xi32, #tpu.memory_space<hbm>>) dst(%arg7 : memref<1x128xi32, #tpu.memory_space<vmem>>)
        tpu.yield
      }) : () -> ()
      %add3A_22 = arith.addi %mul3A_2, %add3A_20 : i32
      "tpu.region"() ({
        %run_scoped3A_35 = tpu.sem_alloc : memref<!tpu.dma_semaphore, #tpu.memory_space<semaphore_mem>>
        %dma_start3A_36 = arith.constant 0 : i32
        %dma_start3A_37 = tpu.memref_slice %arg4[%add3A_22, %dma_start3A_36] : memref<2528x128xi32, #tpu.memory_space<hbm>> -> memref<1x128xi32, #tpu.memory_space<hbm>>
        %dma_start3A_38 = arith.constant 0 : i32
        %dma_start3A_39 = tpu.memref_slice %arg4[%add3A_22, %dma_start3A_38] : memref<2528x128xi32, #tpu.memory_space<hbm>> -> memref<1x128xi32, #tpu.memory_space<hbm>>
        tpu.enqueue_dma source(%dma_start3A_39 : memref<1x128xi32, #tpu.memory_space<hbm>>) target(%arg8 : memref<1x128xi32, #tpu.memory_space<vmem>>) target_semaphore(%run_scoped3A_35 : memref<!tpu.dma_semaphore, #tpu.memory_space<semaphore_mem>>)
        %dma_wait3A_40 = arith.constant 0 : i32
        %dma_wait3A_41 = tpu.memref_slice %arg4[%add3A_22, %dma_wait3A_40] : memref<2528x128xi32, #tpu.memory_space<hbm>> -> memref<1x128xi32, #tpu.memory_space<hbm>>
        %dma_wait3A_42 = arith.constant 0 : i32
        %dma_wait3A_43 = tpu.memref_slice %arg4[%add3A_22, %dma_wait3A_42] : memref<2528x128xi32, #tpu.memory_space<hbm>> -> memref<1x128xi32, #tpu.memory_space<hbm>>
        tpu.wait_dma2 semaphore(%run_scoped3A_35 : memref<!tpu.dma_semaphore, #tpu.memory_space<semaphore_mem>>) src(%dma_wait3A_43 : memref<1x128xi32, #tpu.memory_space<hbm>>) dst(%arg8 : memref<1x128xi32, #tpu.memory_space<vmem>>)
        tpu.yield
      }) : () -> ()
      %dma_start3A = arith.constant 0 : i32
      %dma_start3A_23 = arith.constant 0 : i32
      %dma_start3A_24 = tpu.memref_slice %arg7[%dma_start3A, %dma_start3A_23] : memref<1x128xi32, #tpu.memory_space<vmem>> -> memref<1x128xi32, #tpu.memory_space<vmem>>
      %dma_start3A_25 = tpu.memref_squeeze %dma_start3A_24 : memref<1x128xi32, #tpu.memory_space<vmem>> -> memref<128xi32, #tpu.memory_space<vmem>>
      %dma_start3A_26 = arith.constant 0 : i32
      %dma_start3A_27 = arith.constant 0 : i32
      %dma_start3A_28 = tpu.memref_slice %arg2[%dma_start3A_26, %dma_start3A_27] : memref<10008x128xf32, #tpu.memory_space<hbm>> -> memref<10008x128xf32, #tpu.memory_space<hbm>>
      tpu.enqueue_indirect_dma source(%dma_start3A_28 : memref<10008x128xf32, #tpu.memory_space<hbm>>) target(%arg9 : memref<128x128xf32, #tpu.memory_space<vmem>>) offsets(%dma_start3A_25 : memref<128xi32, #tpu.memory_space<vmem>>) semaphore(%arg11 : memref<!tpu.dma_semaphore, #tpu.memory_space<semaphore_mem>>)
      %dma_wait3A = arith.constant 0 : i32
      %dma_wait3A_29 = arith.constant 0 : i32
      %dma_wait3A_30 = tpu.memref_slice %arg7[%dma_wait3A, %dma_wait3A_29] : memref<1x128xi32, #tpu.memory_space<vmem>> -> memref<1x128xi32, #tpu.memory_space<vmem>>
      %dma_wait3A_31 = tpu.memref_squeeze %dma_wait3A_30 : memref<1x128xi32, #tpu.memory_space<vmem>> -> memref<128xi32, #tpu.memory_space<vmem>>
      %dma_wait3A_32 = arith.constant 0 : i32
      %dma_wait3A_33 = arith.constant 0 : i32
      %dma_wait3A_34 = tpu.memref_slice %arg2[%dma_wait3A_32, %dma_wait3A_33] : memref<10008x128xf32, #tpu.memory_space<hbm>> -> memref<10008x128xf32, #tpu.memory_space<hbm>>
      tpu.wait_indirect_dma semaphore(%arg11 : memref<!tpu.dma_semaphore, #tpu.memory_space<semaphore_mem>>) src(%dma_wait3A_34 : memref<10008x128xf32, #tpu.memory_space<hbm>>) dst(%arg9 : memref<128x128xf32, #tpu.memory_space<vmem>>)
      %run_scoped3A = arith.constant 0 : i32
      "tpu.region"() ({
        %run_scoped3A_35 = tpu.sem_alloc : memref<!tpu.dma_semaphore, #tpu.memory_space<semaphore_mem>>
        %dma_start3A_36 = arith.constant 0 : i32
        %dma_start3A_37 = tpu.memref_slice %arg8[%run_scoped3A, %dma_start3A_36] : memref<1x128xi32, #tpu.memory_space<vmem>> -> memref<1x128xi32, #tpu.memory_space<vmem>>
        %dma_start3A_38 = tpu.memref_squeeze %dma_start3A_37 : memref<1x128xi32, #tpu.memory_space<vmem>> -> memref<128xi32, #tpu.memory_space<vmem>>
        %dma_start3A_39 = arith.constant 0 : i32
        %dma_start3A_40 = arith.constant 0 : i32
        %dma_start3A_41 = tpu.memref_slice %arg10[%dma_start3A_39, %dma_start3A_40] : memref<10112x128xf32, #tpu.memory_space<vmem_shared>> -> memref<10112x128xf32, #tpu.memory_space<vmem_shared>>
        tpu.enqueue_indirect_dma source(%arg9 : memref<128x128xf32, #tpu.memory_space<vmem>>) target(%dma_start3A_41 : memref<10112x128xf32, #tpu.memory_space<vmem_shared>>) offsets(%dma_start3A_38 : memref<128xi32, #tpu.memory_space<vmem>>) semaphore(%run_scoped3A_35 : memref<!tpu.dma_semaphore, #tpu.memory_space<semaphore_mem>>) {add = true}
        %dma_wait3A_42 = arith.constant 0 : i32
        %dma_wait3A_43 = tpu.memref_slice %arg8[%run_scoped3A, %dma_wait3A_42] : memref<1x128xi32, #tpu.memory_space<vmem>> -> memref<1x128xi32, #tpu.memory_space<vmem>>
        %dma_wait3A_44 = tpu.memref_squeeze %dma_wait3A_43 : memref<1x128xi32, #tpu.memory_space<vmem>> -> memref<128xi32, #tpu.memory_space<vmem>>
        %dma_wait3A_45 = arith.constant 0 : i32
        %dma_wait3A_46 = arith.constant 0 : i32
        %dma_wait3A_47 = tpu.memref_slice %arg10[%dma_wait3A_45, %dma_wait3A_46] : memref<10112x128xf32, #tpu.memory_space<vmem_shared>> -> memref<10112x128xf32, #tpu.memory_space<vmem_shared>>
        tpu.wait_indirect_dma semaphore(%run_scoped3A_35 : memref<!tpu.dma_semaphore, #tpu.memory_space<semaphore_mem>>) src(%arg9 : memref<128x128xf32, #tpu.memory_space<vmem>>) dst(%dma_wait3A_47 : memref<10112x128xf32, #tpu.memory_space<vmem_shared>>)
        tpu.yield
      }) : () -> ()
    }
    %scan3A_10 = arith.constant 79 : i32
    %barrier3A_11 = arith.constant 0 : index
    tpu.barrier barrier_id(%barrier3A_11)
    %mul3A_12 = arith.constant 632 : i32
    %mul3A_13 = arith.muli %arg1, %mul3A_12 : i32
    %mul3A_14 = arith.constant 632 : i32
    %mul3A_15 = arith.muli %arg1, %mul3A_14 : i32
    "tpu.region"() ({
      %run_scoped3A = tpu.sem_alloc : memref<!tpu.dma_semaphore, #tpu.memory_space<semaphore_mem>>
      %dma_start3A = arith.constant 0 : i32
      %dma_start3A_16 = arith.constant 0 : i32
      %dma_start3A_17 = tpu.memref_slice %arg6[%arg0, %dma_start3A, %dma_start3A_16] : memref<2x10112x128xf32, #tpu.memory_space<hbm>> -> memref<1x10112x128xf32, #tpu.memory_space<hbm>>
      %dma_start3A_18 = tpu.memref_squeeze %dma_start3A_17 : memref<1x10112x128xf32, #tpu.memory_space<hbm>> -> memref<10112x128xf32, #tpu.memory_space<hbm>>
      %dma_start3A_19 = arith.constant 0 : i32
      %dma_start3A_20 = tpu.memref_slice %dma_start3A_18[%mul3A_15, %dma_start3A_19] : memref<10112x128xf32, #tpu.memory_space<hbm>> -> memref<632x128xf32, #tpu.memory_space<hbm>>
      %dma_start3A_21 = arith.constant 0 : i32
      %dma_start3A_22 = tpu.memref_slice %arg10[%mul3A_13, %dma_start3A_21] : memref<10112x128xf32, #tpu.memory_space<vmem_shared>> -> memref<632x128xf32, #tpu.memory_space<vmem_shared>>
      tpu.enqueue_dma source(%dma_start3A_22 : memref<632x128xf32, #tpu.memory_space<vmem_shared>>) target(%dma_start3A_20 : memref<632x128xf32, #tpu.memory_space<hbm>>) target_semaphore(%run_scoped3A : memref<!tpu.dma_semaphore, #tpu.memory_space<semaphore_mem>>)
      %dma_wait3A = arith.constant 0 : i32
      %dma_wait3A_23 = arith.constant 0 : i32
      %dma_wait3A_24 = tpu.memref_slice %arg6[%arg0, %dma_wait3A, %dma_wait3A_23] : memref<2x10112x128xf32, #tpu.memory_space<hbm>> -> memref<1x10112x128xf32, #tpu.memory_space<hbm>>
      %dma_wait3A_25 = tpu.memref_squeeze %dma_wait3A_24 : memref<1x10112x128xf32, #tpu.memory_space<hbm>> -> memref<10112x128xf32, #tpu.memory_space<hbm>>
      %dma_wait3A_26 = arith.constant 0 : i32
      %dma_wait3A_27 = tpu.memref_slice %dma_wait3A_25[%mul3A_15, %dma_wait3A_26] : memref<10112x128xf32, #tpu.memory_space<hbm>> -> memref<632x128xf32, #tpu.memory_space<hbm>>
      %dma_wait3A_28 = arith.constant 0 : i32
      %dma_wait3A_29 = tpu.memref_slice %arg10[%mul3A_13, %dma_wait3A_28] : memref<10112x128xf32, #tpu.memory_space<vmem_shared>> -> memref<632x128xf32, #tpu.memory_space<vmem_shared>>
      tpu.wait_dma2 semaphore(%run_scoped3A : memref<!tpu.dma_semaphore, #tpu.memory_space<semaphore_mem>>) src(%dma_wait3A_29 : memref<632x128xf32, #tpu.memory_space<vmem_shared>>) dst(%dma_wait3A_27 : memref<632x128xf32, #tpu.memory_space<hbm>>)
      tpu.yield
    }) : () -> ()
    return
  }
}

module attributes {stable_mosaic.version = 14 : i64} {
  func.func @mm(%arg0: memref<10000x128xf32, #tpu.memory_space<vmem>>, %arg1: memref<128x128xf32, #tpu.memory_space<vmem>>, %arg2: memref<10000x128xf32, #tpu.memory_space<vmem>>) attributes {dimension_semantics = [], scalar_prefetch = 0 : i64, scratch_operands = 0 : i64, tpu.core_type = #tpu.core_type<tc>} {
    %get3A = arith.constant 0 : index
    %get3A_0 = arith.constant 0 : index
    %get3A_1 = vector.load %arg0[%get3A, %get3A_0] : memref<10000x128xf32, #tpu.memory_space<vmem>>, vector<10000x128xf32>
    %get3A_2 = arith.constant 0 : index
    %get3A_3 = arith.constant 0 : index
    %get3A_4 = vector.load %arg1[%get3A_2, %get3A_3] : memref<128x128xf32, #tpu.memory_space<vmem>>, vector<128x128xf32>
    %dot_general3A = arith.constant dense<0.000000e+00> : vector<10000x128xf32>
    %dot_general3A_5 = tpu.matmul %get3A_1, %get3A_4, %dot_general3A {dimension_numbers = #tpu.dot_dimension_numbers<[1], [1], [0], [0], [0, 0, 1, 0], [], []>, transpose_lhs_hint = false} : vector<10000x128xf32>, vector<128x128xf32>, vector<10000x128xf32> -> vector<10000x128xf32>
    %swap3A = arith.constant 0 : index
    %swap3A_6 = arith.constant 0 : index
    %swap3A_7 = vector.load %arg2[%swap3A, %swap3A_6] : memref<10000x128xf32, #tpu.memory_space<vmem>>, vector<10000x128xf32>
    tpu.vector_store %arg2[%swap3A, %swap3A_6], %dot_general3A_5 {strides = array<i32>} : memref<10000x128xf32, #tpu.memory_space<vmem>>, vector<10000x128xf32>,
    return
  }
}

module attributes {stable_mosaic.version = 14 : i64} {
  func.func @scale(%arg0: memref<10000x128xf32, #tpu.memory_space<vmem>>, %arg1: memref<2x10112x16xf32, #tpu.memory_space<vmem>>, %arg2: memref<10008x128xf32, #tpu.memory_space<vmem>>) attributes {dimension_semantics = [], scalar_prefetch = 0 : i64, scratch_operands = 0 : i64, tpu.core_type = #tpu.core_type<tc>} {
    %get3A = arith.constant 0 : index
    %get3A_0 = arith.constant 0 : index
    %get3A_1 = arith.constant 0 : index
    %get3A_2 = vector.load %arg1[%get3A, %get3A_0, %get3A_1] : memref<2x10112x16xf32, #tpu.memory_space<vmem>>, vector<1x10000x1xf32>
    %get3A_3 = vector.shape_cast %get3A_2 : vector<1x10000x1xf32> to vector<10000x1xf32>
    %get3A_4 = arith.constant 1 : index
    %get3A_5 = arith.constant 0 : index
    %get3A_6 = arith.constant 0 : index
    %get3A_7 = vector.load %arg1[%get3A_4, %get3A_5, %get3A_6] : memref<2x10112x16xf32, #tpu.memory_space<vmem>>, vector<1x10000x1xf32>
    %get3A_8 = vector.shape_cast %get3A_7 : vector<1x10000x1xf32> to vector<10000x1xf32>
    %add3A = arith.addf %get3A_3, %get3A_8 : vector<10000x1xf32>
    %add3A_9 = arith.constant 1.000000e+00 : f32
    %add3A_10 = vector.broadcast %add3A_9 : f32 to vector<10000x1xf32>
    %add3A_11 = arith.addf %add3A, %add3A_10 : vector<10000x1xf32>
    %get3A_12 = arith.constant 0 : index
    %get3A_13 = arith.constant 0 : index
    %get3A_14 = vector.load %arg0[%get3A_12, %get3A_13] : memref<10000x128xf32, #tpu.memory_space<vmem>>, vector<10000x128xf32>
    %rsqrt3A = math.rsqrt %add3A_11 : vector<10000x1xf32>
    %mul3A = vector.broadcast %rsqrt3A : vector<10000x1xf32> to vector<10000x128xf32>
    %mul3A_15 = arith.mulf %get3A_14, %mul3A : vector<10000x128xf32>
    %swap3A = arith.constant 0 : index
    %swap3A_16 = arith.constant 0 : index
    %swap3A_17 = vector.load %arg2[%swap3A, %swap3A_16] : memref<10008x128xf32, #tpu.memory_space<vmem>>, vector<10000x128xf32>
    tpu.vector_store %arg2[%swap3A, %swap3A_16], %mul3A_15 {strides = array<i32>} : memref<10008x128xf32, #tpu.memory_space<vmem>>, vector<10000x128xf32>,
    %broadcast_in_dim3A = arith.constant 0.000000e+00 : f32
    %broadcast_in_dim3A_18 = vector.broadcast %broadcast_in_dim3A : f32 to vector<8x128xf32>
    %swap3A_19 = arith.constant 10000 : index
    %swap3A_20 = arith.constant 0 : index
    %swap3A_21 = vector.load %arg2[%swap3A_19, %swap3A_20] : memref<10008x128xf32, #tpu.memory_space<vmem>>, vector<8x128xf32>
    tpu.vector_store %arg2[%swap3A_19, %swap3A_20], %broadcast_in_dim3A_18 {strides = array<i32>} : memref<10008x128xf32, #tpu.memory_space<vmem>>, vector<8x128xf32>,
    return
  }
}

module attributes {stable_mosaic.version = 14 : i64} {
  func.func @final(%arg0: memref<2x10112x128xf32, #tpu.memory_space<vmem>>, %arg1: memref<10008x128xf32, #tpu.memory_space<vmem>>, %arg2: memref<2x10112x16xf32, #tpu.memory_space<vmem>>, %arg3: memref<10000x128xf32, #tpu.memory_space<vmem>>, %arg4: memref<1x128xf32, #tpu.memory_space<vmem>>, %arg5: memref<1x128xf32, #tpu.memory_space<vmem>>, %arg6: memref<1x128xf32, #tpu.memory_space<vmem>>, %arg7: memref<10000x128xf32, #tpu.memory_space<vmem>>) attributes {dimension_semantics = [], scalar_prefetch = 0 : i64, scratch_operands = 0 : i64, tpu.core_type = #tpu.core_type<tc>} {
    %get3A = arith.constant 0 : index
    %get3A_0 = arith.constant 0 : index
    %get3A_1 = arith.constant 0 : index
    %get3A_2 = vector.load %arg0[%get3A, %get3A_0, %get3A_1] : memref<2x10112x128xf32, #tpu.memory_space<vmem>>, vector<1x10000x128xf32>
    %get3A_3 = vector.shape_cast %get3A_2 : vector<1x10000x128xf32> to vector<10000x128xf32>
    %get3A_4 = arith.constant 1 : index
    %get3A_5 = arith.constant 0 : index
    %get3A_6 = arith.constant 0 : index
    %get3A_7 = vector.load %arg0[%get3A_4, %get3A_5, %get3A_6] : memref<2x10112x128xf32, #tpu.memory_space<vmem>>, vector<1x10000x128xf32>
    %get3A_8 = vector.shape_cast %get3A_7 : vector<1x10000x128xf32> to vector<10000x128xf32>
    %add3A = arith.addf %get3A_3, %get3A_8 : vector<10000x128xf32>
    %get3A_9 = arith.constant 0 : index
    %get3A_10 = arith.constant 0 : index
    %get3A_11 = arith.constant 0 : index
    %get3A_12 = vector.load %arg2[%get3A_9, %get3A_10, %get3A_11] : memref<2x10112x16xf32, #tpu.memory_space<vmem>>, vector<1x10000x1xf32>
    %get3A_13 = vector.shape_cast %get3A_12 : vector<1x10000x1xf32> to vector<10000x1xf32>
    %get3A_14 = arith.constant 1 : index
    %get3A_15 = arith.constant 0 : index
    %get3A_16 = arith.constant 0 : index
    %get3A_17 = vector.load %arg2[%get3A_14, %get3A_15, %get3A_16] : memref<2x10112x16xf32, #tpu.memory_space<vmem>>, vector<1x10000x1xf32>
    %get3A_18 = vector.shape_cast %get3A_17 : vector<1x10000x1xf32> to vector<10000x1xf32>
    %add3A_19 = arith.addf %get3A_13, %get3A_18 : vector<10000x1xf32>
    %add3A_20 = arith.constant 1.000000e+00 : f32
    %add3A_21 = vector.broadcast %add3A_20 : f32 to vector<10000x1xf32>
    %add3A_22 = arith.addf %add3A_19, %add3A_21 : vector<10000x1xf32>
    %rsqrt3A = math.rsqrt %add3A_22 : vector<10000x1xf32>
    %get3A_23 = arith.constant 0 : index
    %get3A_24 = arith.constant 0 : index
    %get3A_25 = vector.load %arg1[%get3A_23, %get3A_24] : memref<10008x128xf32, #tpu.memory_space<vmem>>, vector<10000x128xf32>
    %add3A_26 = arith.addf %add3A, %get3A_25 : vector<10000x128xf32>
    %mul3A = vector.broadcast %rsqrt3A : vector<10000x1xf32> to vector<10000x128xf32>
    %mul3A_27 = arith.mulf %add3A_26, %mul3A : vector<10000x128xf32>
    %get3A_28 = arith.constant 0 : index
    %get3A_29 = arith.constant 0 : index
    %get3A_30 = vector.load %arg4[%get3A_28, %get3A_29] : memref<1x128xf32, #tpu.memory_space<vmem>>, vector<1x128xf32>
    %add3A_31 = vector.broadcast %get3A_30 : vector<1x128xf32> to vector<10000x128xf32>
    %add3A_32 = arith.addf %mul3A_27, %add3A_31 : vector<10000x128xf32>
    %mul3A_33 = arith.constant 0.999994993 : f32
    %mul3A_34 = vector.broadcast %mul3A_33 : f32 to vector<10000x128xf32>
    %mul3A_35 = arith.mulf %add3A_32, %mul3A_34 : vector<10000x128xf32>
    %get3A_36 = arith.constant 0 : index
    %get3A_37 = arith.constant 0 : index
    %get3A_38 = vector.load %arg5[%get3A_36, %get3A_37] : memref<1x128xf32, #tpu.memory_space<vmem>>, vector<1x128xf32>
    %mul3A_39 = vector.broadcast %get3A_38 : vector<1x128xf32> to vector<10000x128xf32>
    %mul3A_40 = arith.mulf %mul3A_35, %mul3A_39 : vector<10000x128xf32>
    %get3A_41 = arith.constant 0 : index
    %get3A_42 = arith.constant 0 : index
    %get3A_43 = vector.load %arg6[%get3A_41, %get3A_42] : memref<1x128xf32, #tpu.memory_space<vmem>>, vector<1x128xf32>
    %add3A_44 = vector.broadcast %get3A_43 : vector<1x128xf32> to vector<10000x128xf32>
    %add3A_45 = arith.addf %mul3A_40, %add3A_44 : vector<10000x128xf32>
    %max3A = arith.constant 0.000000e+00 : f32
    %max3A_46 = vector.broadcast %max3A : f32 to vector<10000x128xf32>
    %max3A_47 = arith.maximumf %add3A_45, %max3A_46 : vector<10000x128xf32>
    %get3A_48 = arith.constant 0 : index
    %get3A_49 = arith.constant 0 : index
    %get3A_50 = vector.load %arg3[%get3A_48, %get3A_49] : memref<10000x128xf32, #tpu.memory_space<vmem>>, vector<10000x128xf32>
    %add3A_51 = arith.addf %max3A_47, %get3A_50 : vector<10000x128xf32>
    %swap3A = arith.constant 0 : index
    %swap3A_52 = arith.constant 0 : index
    %swap3A_53 = vector.load %arg7[%swap3A, %swap3A_52] : memref<10000x128xf32, #tpu.memory_space<vmem>>, vector<10000x128xf32>
    tpu.vector_store %arg7[%swap3A, %swap3A_52], %add3A_51 {strides = array<i32>} : memref<10000x128xf32, #tpu.memory_space<vmem>>, vector<10000x128xf32>,
    return
  }
}

</mosaic_0001>

<sc_bundles>
// kernel: kernel.10.cloned.1.call-start
scs
__scs_entry_jumppad:
0x0: {  	(pc) =	sbr.rel $0x88, $3  }
0x1: {  	(tag) =	ssettag $0x0;
	lr =	simm.s32 $0x1  }
0x2: {  	[smem:$0x3F9B] =	sst lr;
	_ =	strace $0xD0000000  }
0x3: {  	_ = 	snop  }
0x4: {  	_ = 	snop  }
0x5: {  	_ = 	snop  }
0x6: {  	_ = 	snop  }
0x7: {  	_ = 	snop  }
__scs_overlays_trampoline_lowered:
0x8: {  	[smem:$0x3FAA] =	sst s0  }
0x9: {  	[smem:$0x3FAB] =	sst s1  }
0xa: {  	[smem:$0x3FAC] =	sst s2  }
0xb: {  	[smem:$0x3FAD] =	sst s3  }
0xc: {  	[smem:$0x3FAE] =	sst s4  }
0xd: {  	[smem:$0x3FAF] =	sst s5  }
0xe: {  	[smem:$0x3FB0] =	sst s6  }
0xf: {  	[smem:$0x3FB1] =	sst s7  }
0x10: {  	[smem:$0x3FB2] =	sst s8  }
0x11: {  	[smem:$0x3FB3] =	sst s9;
	s0 =	simm.s32 @!p0 $0x0  }
0x12: {  	s1 =	sld [smem:$0x3F99];
	s0 =	simm.s32 @p0 $0x1  }
0x13: {  	[smem:$0x3FB4] =	sst s0;
	s0 =	simm.s32 @!p1 $0x0  }
0x14: {  	s2 =	sld [smem:$0x3F98];
	s0 =	simm.s32 @p1 $0x1  }
0x15: {  	[smem:$0x3FB5] =	sst s0;
	s0 =	simm.s32 @!p2 $0x0  }
0x16: {  	s3 =	sld [smem:$0x3FDB];
	s0 =	simm.s32 @p2 $0x1  }
0x17: {  	s4 =	simm.s32 $0x1BF5;
	[smem:$0x3FB7] =	sst s0  }
0x18: {  	s0 =	sld [smem:$0x3F9A];
	_ =	swait.ge [sflag:s4], $0x0  }
0x19: {  	s7 =	sld [smem:$0x3F9B]  }
0x1a: {  	s8 =	sadd.s32 $0xFFFFE003, lr  }
0x1b: {  	s9 =	sadd.s32 $0xFFFFFEF7, lr;
	s5 =	simm.s32 $0xFFFFFFFF;
	p2 =	slt.u32 s8, $0xFFFFF086  }
0x1c: {  	p1 =	slt.u32 s9, $0xF7A;
	s5 =	simm.s32 @!p2 $0x0  }
0x1d: {  	s5 =	simm.s32 @p1 $0x1;
	p0 =	seq.s32 s7, s2  }
0x1e: {  	s7 =	smul.u32 @!p0 $0xF7A, s2;
	p2 =	seq.s32 @!p0 s5, $0x0  }
0x1f: {  	s9 =	smul.u32 $0xF7A, s1;
	s8 =	simm.s32 @!p0 $0x1BF5;
	p2 =	por !p2, p0  }
0x20: {  	[sflag:s8] =	ssyncset.s32 @!p0 $0xFFFFF086;
	s6 =	sadd.s32 @!p0 s3, s7;
	s7 =	simm.s32 @!p0 $0x108  }
0x21: {  	s3 =	sadd.s32 s3, s9;
	s6 =	sadd.s32 @!p0 $0x88, s6;
	s7 =	simm.s32 @p2 $0x1082  }
0x22: {  	[simem:s7], [sflag:s8] =	dma.local @!p0 [hbm:s6], $0xF7A  }
0x23: {  	s9 =	sor.u32 $0xD0000000, s2;
	s6 =	simm.s32 $0x108;
	_ =	swait.ge @!p0 [sflag:s8], $0x0  }
0x24: {  	s3 =	sadd.s32 $0x88, s3;
	s6 =	simm.s32 @!p1 $0x1082;
	[sflag:s4] =	ssyncset.s32 $0xFFFFF086  }
0x25: {  	[simem:s6], [sflag:s4] =	dma.local [hbm:s3], $0xF7A  }
0x26: {  	[smem:$0x3F9B] =	sst s1;
	(tag) =	ssettag s2;
	_ =	strace s9  }
0x27: {  	s1 =	sld [smem:$0x3FAB]  }
0x28: {  	s2 =	sld [smem:$0x3FAC]  }
0x29: {  	s4 =	sld [smem:$0x3FAE]  }
0x2a: {  	p0 =	seq.s32 s5, $0x0;
	s5 =	sld [smem:$0x3FAF]  }
0x2b: {  	s6 =	sld [smem:$0x3FB0]  }
0x2c: {  	s7 =	sld [smem:$0x3FB1]  }
0x2d: {  	s3 =	simm.s32 $0x108;
	s8 =	sld [smem:$0x3FB2]  }
0x2e: {  	s3 =	simm.s32 @!p0 $0x1082;
	s9 =	sld [smem:$0x3FB3]  }
0x2f: {  	lr =	sadd.s32 s0, s3;
	s0 =	sld [smem:$0x3FAA]  }
0x30: {  	s3 =	sld [smem:$0x3FAD]  }
0x31: {  	[smem:$0x3FB6] =	sst s10  }
0x32: {  	s10 =	sld [smem:$0x3FB4];
	_ =	sdelay $0x3  }
0x33: {  	p0 =	seq.s32 s10, $0x1;
	s10 =	sld [smem:$0x3FB6];
	_ =	sdelay $0x3  }
0x34: {  	[smem:$0x3FB6] =	sst s10  }
0x35: {  	s10 =	sld [smem:$0x3FB5];
	_ =	sdelay $0x3  }
0x36: {  	p1 =	seq.s32 s10, $0x1;
	s10 =	sld [smem:$0x3FB6];
	_ =	sdelay $0x3  }
0x37: {  	[smem:$0x3FB6] =	sst s10  }
0x38: {  	s10 =	sld [smem:$0x3FB7]  }
0x39: {  	_ = 	snop;
	(pc) =	sbr.ind lr, $3  }
0x3a: {  	_ = 	snop  }
0x3b: {  	_ = 	snop  }
0x3c: {  	p2 =	seq.s32 s10, $0x1;
	s10 =	sld [smem:$0x3FB6]  }
0x3d: {  	_ =	shalt  }
0x3e: {  	_ =	shalt  }
0x3f: {  	_ =	shalt  }
0x40: {  	_ =	shalt  }
0x41: {  	_ =	shalt  }
0x42: {  	_ =	shalt  }
0x43: {  	_ =	shalt  }
0x44: {  	_ =	shalt  }
0x45: {  	_ =	shalt  }
0x46: {  	_ =	shalt  }
0x47: {  	_ =	shalt  }
0x48: {  	_ =	shalt  }
0x49: {  	_ =	shalt  }
0x4a: {  	_ =	shalt  }
0x4b: {  	_ =	shalt  }
0x4c: {  	_ =	shalt  }
0x4d: {  	_ =	shalt  }
0x4e: {  	_ =	shalt  }
0x4f: {  	_ =	shalt  }
0x50: {  	_ =	shalt  }
0x51: {  	_ =	shalt  }
0x52: {  	_ =	shalt  }
0x53: {  	_ =	shalt  }
0x54: {  	_ =	shalt  }
0x55: {  	_ =	shalt  }
0x56: {  	_ =	shalt  }
0x57: {  	_ =	shalt  }
0x58: {  	_ =	shalt  }
0x59: {  	_ =	shalt  }
0x5a: {  	_ =	shalt  }
0x5b: {  	_ =	shalt  }
0x5c: {  	_ =	shalt  }
0x5d: {  	_ =	shalt  }
0x5e: {  	_ =	shalt  }
0x5f: {  	_ =	shalt  }
0x60: {  	_ =	shalt  }
0x61: {  	_ =	shalt  }
0x62: {  	_ =	shalt  }
0x63: {  	_ =	shalt  }
0x64: {  	_ =	shalt  }
0x65: {  	_ =	shalt  }
0x66: {  	_ =	shalt  }
0x67: {  	_ =	shalt  }
0x68: {  	_ =	shalt  }
0x69: {  	_ =	shalt  }
0x6a: {  	_ =	shalt  }
0x6b: {  	_ =	shalt  }
0x6c: {  	_ =	shalt  }
0x6d: {  	_ =	shalt  }
0x6e: {  	_ =	shalt  }
0x6f: {  	_ =	shalt  }
0x70: {  	_ =	shalt  }
0x71: {  	_ =	shalt  }
0x72: {  	_ =	shalt  }
0x73: {  	_ =	shalt  }
0x74: {  	_ =	shalt  }
0x75: {  	_ =	shalt  }
0x76: {  	_ =	shalt  }
0x77: {  	_ =	shalt  }
0x78: {  	_ =	shalt  }
0x79: {  	_ =	shalt  }
0x7a: {  	_ =	shalt  }
0x7b: {  	_ =	shalt  }
0x7c: {  	_ =	shalt  }
0x7d: {  	_ =	shalt  }
0x7e: {  	_ =	shalt  }
0x7f: {  	_ =	shalt  }
0x80: {  	_ =	shalt  }
0x81: {  	_ =	shalt  }
0x82: {  	_ =	shalt  }
0x83: {  	_ =	shalt  }
0x84: {  	_ =	shalt  }
0x85: {  	_ =	shalt  }
0x86: {  	_ =	shalt  }
0x87: {  	_ =	shalt  }
.Lfunc_end0:
.L_simem_size_0:
called_computation.1_lowered:
.L_overlay_start_0:
0x88: {  	s2 =	sld [smem:$0x3FD9]  }
0x89: {  	s3 =	sld [smem:$0x3FFE];
	_ =	sdelay $0x1  }
0x8a: {  	s1 =	srdreg.scid  }
0x8b: {  	s0 =	sand.u32 $0x1, s1  }
0x8c: {  	s17 =	sshll.u32 s0, $0xA;
	s2 =	sadd.s32 s3, s2  }
0x8d: {  	s2 =	sadd.s32 s2, s17  }
0x8e: {  	[smem:$0x3FC2] =	sst s2  }
0x8f: {  	_ = 	snop  }
0x90: {  	s2 =	sld [smem:$0x3FD0];
	(tm) =	ssettm $0x1  }
0x91: {  	s18 =	sld [smem:$0x3FFB];
	_ =	sdelay $0x3  }
0x92: {  	_ =	strace s18  }
0x93: {  	s3 =	sld [smem:$0x3FFC];
	_ =	sdelay $0x3  }
0x94: {  	_ =	strace s3  }
0x95: {  	s3 =	sld [smem:$0x3FFD];
	_ =	sdelay $0x3  }
0x96: {  	_ =	strace s3  }
0x97: {  	_ =	strace $0x8FFFFFFF  }
0x98: {  	s19 =	sld [smem:$0x3FDB];
	_ =	sdelay $0x1  }
0x99: {  	s4 =	simm.s32 $_scs_section_size  }
0x9a: {  	s5 =	simm.s32 $_size__tile_overlayer_lowered;
	s6 =	simm.s32 $_tile_overlayer_lowered  }
0x9b: {  	s22 =	simm.s32 $0x1BFF;
	s21 =	sshll.u32 s6, $0x1;
	s3 =	sadd.s32 s4, s19  }
0x9c: {  	s7 =	simm.s32 $0x0;
	s20 =	sshll.u32 s5, $0x1;
	s5 =	sadd.s32 s21, s3  }
0x9d: {  	[timem:s7], [sflag:s22] =	dma.local [hbm:s5], s20  }
0x9e: {  	_ =	swait.ge [sflag:s22], s20  }
0x9f: {  	s4 =	ssub.s32 $0x0, s20;
	[sflag:s22] =	ssyncset.done $0x0  }
0xa0: {  	[sflag:s22] =	ssyncadd.s32 s4;
	_ =	sdelay $0x1  }
0xa1: {  	s23 =	simm.s32 $0x1B8B  }
0xa2: {  	_ =	swait.ge [sflag:s23], $0x1  }
0xa3: {  	[sflag:s23] =	ssyncset.done $0x0  }
0xa4: {  	s25 =	simm.s32 $0x1B8E;
	s24 =	sld [smem:$0x3FFE];
	[sflag:s23] =	ssyncadd.s32 $0xFFFFFFFF  }
0xa5: {  	s26 =	simm.s32 $execute0_lowered;
	[smem:$0x3FD2] =	sst s25  }
0xa6: {  	s5 =	sshll.u32 s26, $0x1;
	_ =	strace $0x80000049;
	[dreg:$0x1] =	wrdreg $0xFFFFFFFF  }
0xa7: {  	s28 =	simm.s32 $_size_execute0_lowered;
	s3 =	sadd.s32 s3, s5;
	[dreg:$0x0] =	wrdreg $0x0  }
0xa8: {  	s5 =	sshll.u32 s28, $0x1;
	[dreg:$0x2] =	wrdreg s3  }
0xa9: {  	[dreg:$0x3] =	wrdreg s5  }
0xaa: {  	[dreg:$0x4] =	wrdreg $0xC0  }
0xab: {  	_ =	task [dreg:s7], $0x5FFFF  }
0xac: {  	[dreg:$0x1] =	wrdreg $0xFFFFFFFF  }
0xad: {  	[dreg:$0x0] =	wrdreg $0x60  }
0xae: {  	[dreg:$0x2] =	wrdreg s24  }
0xaf: {  	[dreg:$0x3] =	wrdreg s2  }
0xb0: {  	[dreg:$0x4] =	wrdreg $0x41000  }
0xb1: {  	[dreg:$0x5] =	wrdreg $0x9  }
0xb2: {  	_ =	task.clear_ibuf [dreg:s7], $0x6FFFF;
	_ =	strace $0x90000049  }
0xb3: {  	s29 =	simm.s32 $0x9;
	_ =	strace $0x8000004B  }
0xb4: {  	_ =	swait.ge [sflag:s29], $0x1  }
0xb5: {  	[sflag:s29] =	ssyncadd.s32 $0xFFFFFFFF  }
0xb6: {  	_ =	strace $0x9000004B  }
0xb7: {  	_ =	sfence  }
0xb8: {  	s30 =	sld [smem:$0x0];
	_ =	sdelay $0x2  }
0xb9: {  	s31 =	sshll.u32 s1, $0xD;
	s1 =	sshrl.u32 s1, $0x2  }
0xba: {  	s3 =	sand.u32 $0x4000, s31;
	s1 =	sadd.s32 s1, s30  }
0xbb: {  	s0 =	sor.u32 s3, s0;
	s1 =	sshll.u32 s1, $0x11  }
0xbc: {  	s0 =	sor.u32 s1, s0  }
0xbd: {  	s0 =	sadd.s32 $0x8F2B, s0  }
0xbe: {  	[sflag:s0] =	ssyncadd.remote.s32 $0x1  }
0xbf: {  	_ =	sfence.sel $0xFFFF  }
0xc0: {  	[dreg:$0x0] =	wrdreg $0xFFFFFFFF;
	(pc) =	sbr.abs _section_cstart, $3  }
0xc1: {  	[dreg:$0x1] =	wrdreg $0xFFFFFFFF  }
0xc2: {  	_ =	task.clear_ibuf [dreg:s7], $0x2FFFF;
	_ =	strace $0x9FFFFFFF  }
0xc3: {  	(tm) =	ssettm $0x7FFFFFFF  }
tec
execute0_lowered:
.L_overlay_start_1:
0x0: {  	(tag) =	ssettag $0x1  }
0x1: {  	s5 =	rddreg [dreg:$0x0]  }
0x2: {  	s8 =	rddreg [dreg:$0x1];
	s2 =	srdreg.scid  }
0x3: {  	s1 =	rddreg [dreg:$0x2];
	s6 =	sand.u32 $0x1, s2  }
0x4: {  	s2 =	stileid.u32;
	s9 =	smul.u32 $0x4F00, s6  }
0x5: {  	s0 =	rddreg [dreg:$0x3];
	s3 =	simm.s32 $0x0;
	s15 =	smul.u32 $0x2780, s2  }
0x6: {  	[smem:$0x7FF] =	sst s3;
	s4 =	sadd.s32 $0xB800, s5;
	s7 =	smul.u32 $0x27800, s6  }
0x7: {  	_ =	strace $0x8000004A;
	s6 =	ssub.s32 $0x2, s6;
	s10 =	smul.u32 $0x4F000, s2  }
0x8: {  	s30 =	sshll.u32 s2, $0x6;
	s14 =	smul.u32 $0x4F0, s2;
	s13 =	sshrl.u32 s6, $0x1  }
0x9: {  	s11 =	sadd.s32 s9, s5;
	s12 =	sadd.s32 s15, s5;
	s7 =	sadd.s32 s7, s5  }
0xa: {  	s13 =	ssub.s32 s6, s13;
	s29 =	sshrl.u32 s10, $0x2;
	s6 =	sor.u32 $0x1C02, s30  }
0xb: {  	s8 =	sadd.s32 s9, s8;
	s10 =	sadd.s32 s29, s1;
	s5 =	sadd.s32 $0x82800, s12  }
0xc: {  	s16 =	sadd.s32 $0xAA000, s7;
	s7 =	smax.u32 s13, $0x1;
	s31 =	sadd.s32 s14, s11  }
0xd: {  	s8 =	sadd.s32 s14, s8;
	s11 =	simm.s32 $0x2;
	s12 =	simm.s32 $0x80  }
0xe: {  	s13 =	simm.s32 $0x100;
	s14 =	simm.s32 $0x1;
	s9 =	sadd.s32 $0x1A00, s31  }
0xf: {  	s10 =	sshrl.u32 s10, $0x3;
	s15 =	sadd.s32 s15, s16;
	s16 =	simm.s32 $0x0  }
.LBB2_1:
0x10: {  	[spmem:s10], [sflag:s6] =	dma.local [hbm:s5], $0x2780  }
0x11: {  	_ =	swait.ge [sflag:s11], $0x2780  }
0x12: {  	[sflag:s11] =	ssyncset.done $0x0  }
0x13: {  	[sflag:s11] =	ssyncadd.s32 $0xFFFFD880  }
0x14: {  	s17 =	sadd.s32 $0x0, s8;
	[bflag:$0x0] =	sbarrier.arrive $0xFFFF  }
0x15: {  	[tilespmem:s3], [sflag:$0x2] =	stream.linear.gather [hbm4b:s17+s3], $0x80, $0x38;
	[tilespmem:$0x17D00] =	vst v63  }
0x16: {  	_ =	swait.ge [sflag:s11], $0x80  }
0x17: {  	[sflag:s11] =	ssyncset.done $0x0  }
0x18: {  	s31 =	sadd.s32 $0x0, s9;
	[sflag:s11] =	ssyncadd.s32 $0xFFFFFF80  }
0x19: {  	[tilespmem:s12], [sflag:$0x2] =	stream.linear.gather [hbm4b:s31+s3], $0x80, $0x38;
	[tilespmem:$0x17D00] =	vst v63  }
0x1a: {  	_ =	swait.ge [sflag:s11], $0x80  }
0x1b: {  	[sflag:s11] =	ssyncset.done $0x0  }
0x1c: {  	[sflag:s11] =	ssyncadd.s32 $0xFFFFFF80  }
0x1d: {  	[tilespmem:s13], [sflag:$0x1] =	stream.indirect.gather [hbm4b:s4+s12], $0x80, s3, s12, $0xb8;
	[tilespmem:$0x17D00] =	vst v63  }
0x1e: {  	_ =	swait.ge [sflag:s14], $0x4000  }
0x1f: {  	[sflag:s14] =	ssyncset.done $0x0  }
0x20: {  	[sflag:s14] =	ssyncadd.s32 $0xFFFFC000  }
0x21: {  	[spmem:s1] =	stream.indirect.scatter.add.f32 [tilespmem:s13], [sflag:$0x2], $0x80, s12, s12, $0xb8;
	[tilespmem:$0x17D00] =	vst v63  }
0x22: {  	_ =	swait.ge [sflag:s11], $0x4000  }
0x23: {  	s18 =	simm.s32 $0x20;
	s17 =	simm.s32 $0x10;
	[sflag:s11] =	ssyncset.done $0x0  }
.LBB2_2:
0x24: {  	s19 =	sadd.s32 s17, s8  }
0x25: {  	[sflag:s11] =	ssyncadd.s32 $0xFFFFC000;
	s20 =	smov.u32 s18;
	s21 =	sadd.s32 $0x10, s18  }
0x26: {  	[tilespmem:s3], [sflag:$0x2] =	stream.linear.gather [hbm4b:s19+s3], $0x80, $0x38;
	[tilespmem:$0x17D00] =	vst v63  }
0x27: {  	p0 =	sne.s32 s18, $0x4E0;
	_ =	swait.ge [sflag:s11], $0x80  }
0x28: {  	[sflag:s11] =	ssyncset.done $0x0  }
0x29: {  	s18 =	sadd.s32 s17, s9;
	s17 =	smov.u32 s20;
	[sflag:s11] =	ssyncadd.s32 $0xFFFFFF80  }
0x2a: {  	[tilespmem:s12], [sflag:$0x2] =	stream.linear.gather [hbm4b:s18+s3], $0x80, $0x38;
	[tilespmem:$0x17D00] =	vst v63  }
0x2b: {  	_ =	swait.ge [sflag:s11], $0x80  }
0x2c: {  	[sflag:s11] =	ssyncset.done $0x0  }
0x2d: {  	[sflag:s11] =	ssyncadd.s32 $0xFFFFFF80  }
0x2e: {  	[tilespmem:s13], [sflag:$0x1] =	stream.indirect.gather [hbm4b:s4+s12], $0x80, s3, s12, $0xb8;
	[tilespmem:$0x17D00] =	vst v63  }
0x2f: {  	_ =	swait.ge [sflag:s14], $0x4000  }
.Ltmp0:
0x30: {  	[sflag:s14] =	ssyncset.done $0x0;
	(pc) =	sbr.rel @p0 .LBB2_2-.Ltmp0, $4  }
0x31: {  	[sflag:s14] =	ssyncadd.s32 $0xFFFFC000  }
0x32: {  	[spmem:s1] =	stream.indirect.scatter.add.f32 [tilespmem:s13], [sflag:$0x2], $0x80, s12, s12, $0xb8;
	[tilespmem:$0x17D00] =	vst v63  }
0x33: {  	_ =	swait.ge [sflag:s11], $0x4000  }
0x34: {  	s18 =	smov.u32 s21;
	[sflag:s11] =	ssyncset.done $0x0  }
0x35: {  	s18 =	sadd.s32 s17, s8;
	[sflag:s11] =	ssyncadd.s32 $0xFFFFC000  }
0x36: {  	[tilespmem:s3], [sflag:$0x2] =	stream.linear.gather [hbm4b:s18+s3], $0x80, $0x38;
	[tilespmem:$0x17D00] =	vst v63  }
0x37: {  	_ =	swait.ge [sflag:s11], $0x80  }
0x38: {  	[sflag:s11] =	ssyncset.done $0x0  }
0x39: {  	s31 =	sadd.s32 s17, s9;
	[sflag:s11] =	ssyncadd.s32 $0xFFFFFF80  }
0x3a: {  	[tilespmem:s12], [sflag:$0x2] =	stream.linear.gather [hbm4b:s31+s3], $0x80, $0x38;
	[tilespmem:$0x17D00] =	vst v63  }
0x3b: {  	_ =	swait.ge [sflag:s11], $0x80  }
0x3c: {  	[sflag:s11] =	ssyncset.done $0x0  }
0x3d: {  	[sflag:s11] =	ssyncadd.s32 $0xFFFFFF80  }
0x3e: {  	[tilespmem:s13], [sflag:$0x1] =	stream.indirect.gather [hbm4b:s4+s12], $0x80, s3, s12, $0xb8;
	[tilespmem:$0x17D00] =	vst v63  }
0x3f: {  	_ =	swait.ge [sflag:s14], $0x4000  }
0x40: {  	[sflag:s14] =	ssyncset.done $0x0  }
0x41: {  	[sflag:s14] =	ssyncadd.s32 $0xFFFFC000  }
0x42: {  	[spmem:s1] =	stream.indirect.scatter.add.f32 [tilespmem:s13], [sflag:$0x2], $0x80, s12, s12, $0xb8;
	[tilespmem:$0x17D00] =	vst v63  }
0x43: {  	_ =	swait.ge [sflag:s11], $0x4000  }
0x44: {  	s16 =	sadd.s32 $0x1, s16;
	[sflag:s11] =	ssyncset.done $0x0  }
0x45: {  	p0 =	sne.s32 s16, s7;
	[sflag:s11] =	ssyncadd.s32 $0xFFFFC000  }
.Ltmp1:
0x46: {  	[bflag:$0x0] =	sbarrier.arrive $0xFFFF;
	(pc) =	sbr.rel @p0 .LBB2_1-.Ltmp1, $4  }
0x47: {  	[hbm:s15], [sflag:s6] =	dma.local [spmem:s10], $0x2780  }
0x48: {  	_ =	swait.ge [sflag:s11], $0x2780  }
0x49: {  	[sflag:s11] =	ssyncset.done $0x0  }
0x4a: {  	[sflag:s11] =	ssyncadd.s32 $0xFFFFD880  }
0x4b: {  	_ =	sfence.sel $0x180000  }
0x4c: {  	[bflag:$0x0] =	sbarrier.arrive $0xFFFF  }
0x4d: {  	p0 =	sne.s32 s2, $0x0;
	_ =	strace $0x9000004A  }
0x4e: {  	s0 =	sadd.s32 @!p0 $0x100000, s0;
	[bflag:$0x2] =	sbarrier.arrive $0xFFFF  }
0x4f: {  	[sflag:s0] =	ssyncadd.tile.s32 @!p0 $0x1;
	_ =	shalt  }
.Lfunc_end2:
_tile_overlayer_lowered:
.L_overlay_start_2:
0x50: {  	(tag) =	ssettag $0x2  }
0x51: {  	s0 =	rddreg [dreg:$0x0];
	s2 =	stileid.u32  }
0x52: {  	s1 =	rddreg [dreg:$0x1];
	p0 =	sne.s32 s2, $0x0  }
0x53: {  	s3 =	rddreg [dreg:$0x2];
	[bflag:$0x3] =	sbarrier.arrive $0xFFFF;
	s2 =	simm.s32 @!p0 $0x1C02  }
0x54: {  	[timem:s3], [sflag:s2] =	dma.local @!p0 [hbm:s0], s1  }
0x55: {  	s0 =	simm.s32 @!p0 $0x2  }
0x56: {  	_ =	swait.ge @!p0 [sflag:s0], s1  }
0x57: {  	s1 =	ssub.s32 @!p0 $0x0, s1;
	[sflag:s0] =	ssyncset.done @!p0 $0x0  }
0x58: {  	[sflag:s0] =	ssyncadd.s32 @!p0 s1  }
0x59: {  	[bflag:$0x3] =	sbarrier.arrive $0xFFFF  }
0x5a: {  	_ =	shalt  }

// kernel: kernel.7.cloned.1.call-start
scs
__scs_entry_jumppad:
0x0: {  	(pc) =	sbr.rel $0x88, $3  }
0x1: {  	(tag) =	ssettag $0x0;
	lr =	simm.s32 $0x1  }
0x2: {  	[smem:$0x3F9B] =	sst lr;
	_ =	strace $0xD0000000  }
0x3: {  	_ = 	snop  }
0x4: {  	_ = 	snop  }
0x5: {  	_ = 	snop  }
0x6: {  	_ = 	snop  }
0x7: {  	_ = 	snop  }
__scs_overlays_trampoline_lowered:
0x8: {  	[smem:$0x3FAA] =	sst s0  }
0x9: {  	[smem:$0x3FAB] =	sst s1  }
0xa: {  	[smem:$0x3FAC] =	sst s2  }
0xb: {  	[smem:$0x3FAD] =	sst s3  }
0xc: {  	[smem:$0x3FAE] =	sst s4  }
0xd: {  	[smem:$0x3FAF] =	sst s5  }
0xe: {  	[smem:$0x3FB0] =	sst s6  }
0xf: {  	[smem:$0x3FB1] =	sst s7  }
0x10: {  	[smem:$0x3FB2] =	sst s8  }
0x11: {  	[smem:$0x3FB3] =	sst s9;
	s0 =	simm.s32 @!p0 $0x0  }
0x12: {  	s1 =	sld [smem:$0x3F99];
	s0 =	simm.s32 @p0 $0x1  }
0x13: {  	[smem:$0x3FB4] =	sst s0;
	s0 =	simm.s32 @!p1 $0x0  }
0x14: {  	s2 =	sld [smem:$0x3F98];
	s0 =	simm.s32 @p1 $0x1  }
0x15: {  	[smem:$0x3FB5] =	sst s0;
	s0 =	simm.s32 @!p2 $0x0  }
0x16: {  	s3 =	sld [smem:$0x3FDB];
	s0 =	simm.s32 @p2 $0x1  }
0x17: {  	s4 =	simm.s32 $0x1BF5;
	[smem:$0x3FB7] =	sst s0  }
0x18: {  	s0 =	sld [smem:$0x3F9A];
	_ =	swait.ge [sflag:s4], $0x0  }
0x19: {  	s7 =	sld [smem:$0x3F9B]  }
0x1a: {  	s8 =	sadd.s32 $0xFFFFE003, lr  }
0x1b: {  	s9 =	sadd.s32 $0xFFFFFEF7, lr;
	s5 =	simm.s32 $0xFFFFFFFF;
	p2 =	slt.u32 s8, $0xFFFFF086  }
0x1c: {  	p1 =	slt.u32 s9, $0xF7A;
	s5 =	simm.s32 @!p2 $0x0  }
0x1d: {  	s5 =	simm.s32 @p1 $0x1;
	p0 =	seq.s32 s7, s2  }
0x1e: {  	s7 =	smul.u32 @!p0 $0xF7A, s2;
	p2 =	seq.s32 @!p0 s5, $0x0  }
0x1f: {  	s9 =	smul.u32 $0xF7A, s1;
	s8 =	simm.s32 @!p0 $0x1BF5;
	p2 =	por !p2, p0  }
0x20: {  	[sflag:s8] =	ssyncset.s32 @!p0 $0xFFFFF086;
	s6 =	sadd.s32 @!p0 s3, s7;
	s7 =	simm.s32 @!p0 $0x108  }
0x21: {  	s3 =	sadd.s32 s3, s9;
	s6 =	sadd.s32 @!p0 $0x88, s6;
	s7 =	simm.s32 @p2 $0x1082  }
0x22: {  	[simem:s7], [sflag:s8] =	dma.local @!p0 [hbm:s6], $0xF7A  }
0x23: {  	s9 =	sor.u32 $0xD0000000, s2;
	s6 =	simm.s32 $0x108;
	_ =	swait.ge @!p0 [sflag:s8], $0x0  }
0x24: {  	s3 =	sadd.s32 $0x88, s3;
	s6 =	simm.s32 @!p1 $0x1082;
	[sflag:s4] =	ssyncset.s32 $0xFFFFF086  }
0x25: {  	[simem:s6], [sflag:s4] =	dma.local [hbm:s3], $0xF7A  }
0x26: {  	[smem:$0x3F9B] =	sst s1;
	(tag) =	ssettag s2;
	_ =	strace s9  }
0x27: {  	s1 =	sld [smem:$0x3FAB]  }
0x28: {  	s2 =	sld [smem:$0x3FAC]  }
0x29: {  	s4 =	sld [smem:$0x3FAE]  }
0x2a: {  	p0 =	seq.s32 s5, $0x0;
	s5 =	sld [smem:$0x3FAF]  }
0x2b: {  	s6 =	sld [smem:$0x3FB0]  }
0x2c: {  	s7 =	sld [smem:$0x3FB1]  }
0x2d: {  	s3 =	simm.s32 $0x108;
	s8 =	sld [smem:$0x3FB2]  }
0x2e: {  	s3 =	simm.s32 @!p0 $0x1082;
	s9 =	sld [smem:$0x3FB3]  }
0x2f: {  	lr =	sadd.s32 s0, s3;
	s0 =	sld [smem:$0x3FAA]  }
0x30: {  	s3 =	sld [smem:$0x3FAD]  }
0x31: {  	[smem:$0x3FB6] =	sst s10  }
0x32: {  	s10 =	sld [smem:$0x3FB4];
	_ =	sdelay $0x3  }
0x33: {  	p0 =	seq.s32 s10, $0x1;
	s10 =	sld [smem:$0x3FB6];
	_ =	sdelay $0x3  }
0x34: {  	[smem:$0x3FB6] =	sst s10  }
0x35: {  	s10 =	sld [smem:$0x3FB5];
	_ =	sdelay $0x3  }
0x36: {  	p1 =	seq.s32 s10, $0x1;
	s10 =	sld [smem:$0x3FB6];
	_ =	sdelay $0x3  }
0x37: {  	[smem:$0x3FB6] =	sst s10  }
0x38: {  	s10 =	sld [smem:$0x3FB7]  }
0x39: {  	_ = 	snop;
	(pc) =	sbr.ind lr, $3  }
0x3a: {  	_ = 	snop  }
0x3b: {  	_ = 	snop  }
0x3c: {  	p2 =	seq.s32 s10, $0x1;
	s10 =	sld [smem:$0x3FB6]  }
0x3d: {  	_ =	shalt  }
0x3e: {  	_ =	shalt  }
0x3f: {  	_ =	shalt  }
0x40: {  	_ =	shalt  }
0x41: {  	_ =	shalt  }
0x42: {  	_ =	shalt  }
0x43: {  	_ =	shalt  }
0x44: {  	_ =	shalt  }
0x45: {  	_ =	shalt  }
0x46: {  	_ =	shalt  }
0x47: {  	_ =	shalt  }
0x48: {  	_ =	shalt  }
0x49: {  	_ =	shalt  }
0x4a: {  	_ =	shalt  }
0x4b: {  	_ =	shalt  }
0x4c: {  	_ =	shalt  }
0x4d: {  	_ =	shalt  }
0x4e: {  	_ =	shalt  }
0x4f: {  	_ =	shalt  }
0x50: {  	_ =	shalt  }
0x51: {  	_ =	shalt  }
0x52: {  	_ =	shalt  }
0x53: {  	_ =	shalt  }
0x54: {  	_ =	shalt  }
0x55: {  	_ =	shalt  }
0x56: {  	_ =	shalt  }
0x57: {  	_ =	shalt  }
0x58: {  	_ =	shalt  }
0x59: {  	_ =	shalt  }
0x5a: {  	_ =	shalt  }
0x5b: {  	_ =	shalt  }
0x5c: {  	_ =	shalt  }
0x5d: {  	_ =	shalt  }
0x5e: {  	_ =	shalt  }
0x5f: {  	_ =	shalt  }
0x60: {  	_ =	shalt  }
0x61: {  	_ =	shalt  }
0x62: {  	_ =	shalt  }
0x63: {  	_ =	shalt  }
0x64: {  	_ =	shalt  }
0x65: {  	_ =	shalt  }
0x66: {  	_ =	shalt  }
0x67: {  	_ =	shalt  }
0x68: {  	_ =	shalt  }
0x69: {  	_ =	shalt  }
0x6a: {  	_ =	shalt  }
0x6b: {  	_ =	shalt  }
0x6c: {  	_ =	shalt  }
0x6d: {  	_ =	shalt  }
0x6e: {  	_ =	shalt  }
0x6f: {  	_ =	shalt  }
0x70: {  	_ =	shalt  }
0x71: {  	_ =	shalt  }
0x72: {  	_ =	shalt  }
0x73: {  	_ =	shalt  }
0x74: {  	_ =	shalt  }
0x75: {  	_ =	shalt  }
0x76: {  	_ =	shalt  }
0x77: {  	_ =	shalt  }
0x78: {  	_ =	shalt  }
0x79: {  	_ =	shalt  }
0x7a: {  	_ =	shalt  }
0x7b: {  	_ =	shalt  }
0x7c: {  	_ =	shalt  }
0x7d: {  	_ =	shalt  }
0x7e: {  	_ =	shalt  }
0x7f: {  	_ =	shalt  }
0x80: {  	_ =	shalt  }
0x81: {  	_ =	shalt  }
0x82: {  	_ =	shalt  }
0x83: {  	_ =	shalt  }
0x84: {  	_ =	shalt  }
0x85: {  	_ =	shalt  }
0x86: {  	_ =	shalt  }
0x87: {  	_ =	shalt  }
.Lfunc_end0:
.L_simem_size_0:
called_computation_lowered:
.L_overlay_start_0:
0x88: {  	s2 =	sld [smem:$0x3FD9]  }
0x89: {  	s3 =	sld [smem:$0x3FFE];
	_ =	sdelay $0x1  }
0x8a: {  	s1 =	srdreg.scid  }
0x8b: {  	s0 =	sand.u32 $0x1, s1  }
0x8c: {  	s16 =	sshll.u32 s0, $0xA;
	s2 =	sadd.s32 s3, s2  }
0x8d: {  	s2 =	sadd.s32 s2, s16  }
0x8e: {  	[smem:$0x3FC2] =	sst s2  }
0x8f: {  	_ = 	snop  }
0x90: {  	(tm) =	ssettm $0x1  }
0x91: {  	s17 =	sld [smem:$0x3FFB];
	_ =	sdelay $0x3  }
0x92: {  	_ =	strace s17  }
0x93: {  	s2 =	sld [smem:$0x3FFC];
	_ =	sdelay $0x3  }
0x94: {  	_ =	strace s2  }
0x95: {  	s2 =	sld [smem:$0x3FFD];
	_ =	sdelay $0x3  }
0x96: {  	_ =	strace s2  }
0x97: {  	_ =	strace $0x8FFFFFFF  }
0x98: {  	s18 =	sld [smem:$0x3FDB];
	_ =	sdelay $0x1  }
0x99: {  	s19 =	simm.s32 $_scs_section_size  }
0x9a: {  	s4 =	simm.s32 $_size__tile_overlayer_lowered;
	s5 =	simm.s32 $_tile_overlayer_lowered  }
0x9b: {  	s22 =	simm.s32 $0x1BFF;
	s21 =	sshll.u32 s5, $0x1;
	s2 =	sadd.s32 s19, s18  }
0x9c: {  	s6 =	simm.s32 $0x0;
	s20 =	sshll.u32 s4, $0x1;
	s4 =	sadd.s32 s21, s2  }
0x9d: {  	[timem:s6], [sflag:s22] =	dma.local [hbm:s4], s20  }
0x9e: {  	_ =	swait.ge [sflag:s22], s20  }
0x9f: {  	s3 =	ssub.s32 $0x0, s20;
	[sflag:s22] =	ssyncset.done $0x0  }
0xa0: {  	[sflag:s22] =	ssyncadd.s32 s3;
	_ =	sdelay $0x1  }
0xa1: {  	s23 =	simm.s32 $0x1B8B  }
0xa2: {  	_ =	swait.ge [sflag:s23], $0x1  }
0xa3: {  	[sflag:s23] =	ssyncset.done $0x0  }
0xa4: {  	s25 =	simm.s32 $0x1B8E;
	s24 =	sld [smem:$0x3FFE];
	[sflag:s23] =	ssyncadd.s32 $0xFFFFFFFF  }
0xa5: {  	s26 =	simm.s32 $execute0_lowered;
	[smem:$0x3FD2] =	sst s25  }
0xa6: {  	s4 =	sshll.u32 s26, $0x1;
	_ =	strace $0x80000046;
	[dreg:$0x1] =	wrdreg $0xFFFFFFFF  }
0xa7: {  	s28 =	simm.s32 $_size_execute0_lowered;
	s2 =	sadd.s32 s2, s4;
	[dreg:$0x0] =	wrdreg $0x0  }
0xa8: {  	s4 =	sshll.u32 s28, $0x1;
	[dreg:$0x2] =	wrdreg s2  }
0xa9: {  	[dreg:$0x3] =	wrdreg s4  }
0xaa: {  	[dreg:$0x4] =	wrdreg $0xC0  }
0xab: {  	_ =	task [dreg:s6], $0x5FFFF  }
0xac: {  	[dreg:$0x1] =	wrdreg $0xFFFFFFFF  }
0xad: {  	[dreg:$0x0] =	wrdreg $0x60  }
0xae: {  	[dreg:$0x2] =	wrdreg s24  }
0xaf: {  	[dreg:$0x3] =	wrdreg $0x40800  }
0xb0: {  	[dreg:$0x4] =	wrdreg $0x9  }
0xb1: {  	_ =	task.clear_ibuf [dreg:s6], $0x5FFFF;
	_ =	strace $0x90000046  }
0xb2: {  	s29 =	simm.s32 $0x9;
	_ =	strace $0x80000048  }
0xb3: {  	_ =	swait.ge [sflag:s29], $0x1  }
0xb4: {  	[sflag:s29] =	ssyncadd.s32 $0xFFFFFFFF  }
0xb5: {  	_ =	strace $0x90000048  }
0xb6: {  	_ =	sfence  }
0xb7: {  	s30 =	sld [smem:$0x0];
	_ =	sdelay $0x2  }
0xb8: {  	s31 =	sshll.u32 s1, $0xD;
	s1 =	sshrl.u32 s1, $0x2  }
0xb9: {  	s3 =	sand.u32 $0x4000, s31;
	s1 =	sadd.s32 s1, s30  }
0xba: {  	s0 =	sor.u32 s3, s0;
	s1 =	sshll.u32 s1, $0x11  }
0xbb: {  	s0 =	sor.u32 s1, s0  }
0xbc: {  	s0 =	sadd.s32 $0x8F2B, s0  }
0xbd: {  	[sflag:s0] =	ssyncadd.remote.s32 $0x1  }
0xbe: {  	_ =	sfence.sel $0xFFFF  }
0xbf: {  	[dreg:$0x0] =	wrdreg $0xFFFFFFFF;
	(pc) =	sbr.abs _section_cstart, $3  }
0xc0: {  	[dreg:$0x1] =	wrdreg $0xFFFFFFFF  }
0xc1: {  	_ =	task.clear_ibuf [dreg:s6], $0x2FFFF;
	_ =	strace $0x9FFFFFFF  }
0xc2: {  	(tm) =	ssettm $0x7FFFFFFF  }
0xc3: {  	_ =	shalt  }
tec
execute0_lowered:
.L_overlay_start_1:
0x0: {  	(tag) =	ssettag $0x1  }
0x1: {  	s5 =	rddreg [dreg:$0x0];
	s3 =	srdreg.scid  }
0x2: {  	s1 =	rddreg [dreg:$0x1];
	s4 =	sand.u32 $0x1, s3  }
0x3: {  	s3 =	stileid.u32;
	s6 =	smul.u32 $0x4F00, s4  }
0x4: {  	s0 =	rddreg [dreg:$0x2];
	s2 =	simm.s32 $0x0;
	s12 =	smul.u32 $0x2780, s3  }
0x5: {  	[smem:$0x7FF] =	sst s2;
	s28 =	smul.u32 $0x27800, s4  }
0x6: {  	_ =	strace $0x80000047;
	s7 =	ssub.s32 $0x2, s4;
	s10 =	smul.u32 $0x4F000, s3  }
0x7: {  	s4 =	sadd.s32 $0xB800, s5;
	s30 =	sshll.u32 s3, $0x6;
	s31 =	smul.u32 $0x4F0, s3  }
0x8: {  	s9 =	sshrl.u32 s7, $0x1;
	s8 =	sadd.s32 s6, s5;
	s11 =	sadd.s32 s12, s5  }
0x9: {  	s13 =	sadd.s32 s28, s5;
	s7 =	ssub.s32 s7, s9;
	s29 =	sshrl.u32 s10, $0x2  }
0xa: {  	s6 =	sor.u32 $0x1C01, s30;
	s10 =	sadd.s32 s29, s1;
	s5 =	sadd.s32 $0xC000, s11  }
0xb: {  	s13 =	sadd.s32 $0x33800, s13;
	s7 =	smax.u32 s7, $0x1;
	s8 =	sadd.s32 s31, s8  }
0xc: {  	s11 =	simm.s32 $0x80;
	s8 =	sadd.s32 $0x1A00, s8;
	s9 =	sshrl.u32 s10, $0x3  }
0xd: {  	s10 =	simm.s32 $0x1;
	s12 =	sadd.s32 s12, s13;
	s13 =	simm.s32 $0x0  }
.LBB2_1:
0xe: {  	[spmem:s9], [sflag:s6] =	dma.local [hbm:s5], $0x2780  }
0xf: {  	_ =	swait.ge [sflag:s10], $0x2780  }
0x10: {  	[sflag:s10] =	ssyncset.done $0x0  }
0x11: {  	[sflag:s10] =	ssyncadd.s32 $0xFFFFD880  }
0x12: {  	[tilespmem:s11], [sflag:$0x1] =	stream.linear.gather [hbm4b:s4+s2], $0x4000, $0x38;
	[tilespmem:$0x6800] =	vst v63  }
0x13: {  	_ =	swait.ge [sflag:s10], $0x4000  }
0x14: {  	[sflag:s10] =	ssyncset.done $0x0  }
0x15: {  	[sflag:s10] =	ssyncadd.s32 $0xFFFFC000  }
0x16: {  	s14 =	sadd.s32 $0x0, s8;
	[bflag:$0x0] =	sbarrier.arrive $0xFFFF  }
0x17: {  	[tilespmem:s2], [sflag:$0x1] =	stream.linear.gather [hbm4b:s14+s2], $0x80, $0x38;
	[tilespmem:$0x6800] =	vst v63  }
0x18: {  	_ =	swait.ge [sflag:s10], $0x80  }
0x19: {  	[sflag:s10] =	ssyncset.done $0x0  }
0x1a: {  	[sflag:s10] =	ssyncadd.s32 $0xFFFFFF80  }
0x1b: {  	[spmem:s1] =	stream.indirect.scatter.add.f32 [tilespmem:s11], [sflag:$0x1], $0x10, s2, s11, $0xb8;
	[tilespmem:$0x6800] =	vst v63  }
0x1c: {  	_ =	swait.ge [sflag:s10], $0x800  }
0x1d: {  	s15 =	simm.s32 $0x20;
	s14 =	simm.s32 $0x10;
	[sflag:s10] =	ssyncset.done $0x0  }
.LBB2_2:
0x1e: {  	s16 =	sadd.s32 s14, s8  }
0x1f: {  	[sflag:s10] =	ssyncadd.s32 $0xFFFFF800;
	s14 =	smov.u32 s15;
	s17 =	sadd.s32 $0x10, s15  }
0x20: {  	[tilespmem:s2], [sflag:$0x1] =	stream.linear.gather [hbm4b:s16+s2], $0x80, $0x38;
	[tilespmem:$0x6800] =	vst v63  }
0x21: {  	p0 =	sne.s32 s15, $0x4E0;
	_ =	swait.ge [sflag:s10], $0x80  }
.Ltmp0:
0x22: {  	[sflag:s10] =	ssyncset.done $0x0;
	(pc) =	sbr.rel @p0 .LBB2_2-.Ltmp0, $4  }
0x23: {  	[sflag:s10] =	ssyncadd.s32 $0xFFFFFF80  }
0x24: {  	[spmem:s1] =	stream.indirect.scatter.add.f32 [tilespmem:s11], [sflag:$0x1], $0x10, s2, s11, $0xb8;
	[tilespmem:$0x6800] =	vst v63  }
0x25: {  	_ =	swait.ge [sflag:s10], $0x800  }
0x26: {  	s15 =	smov.u32 s17;
	[sflag:s10] =	ssyncset.done $0x0  }
0x27: {  	s14 =	sadd.s32 s14, s8;
	[sflag:s10] =	ssyncadd.s32 $0xFFFFF800  }
0x28: {  	[tilespmem:s2], [sflag:$0x1] =	stream.linear.gather [hbm4b:s14+s2], $0x80, $0x38;
	[tilespmem:$0x6800] =	vst v63  }
0x29: {  	_ =	swait.ge [sflag:s10], $0x80  }
0x2a: {  	[sflag:s10] =	ssyncset.done $0x0  }
0x2b: {  	[sflag:s10] =	ssyncadd.s32 $0xFFFFFF80  }
0x2c: {  	[spmem:s1] =	stream.indirect.scatter.add.f32 [tilespmem:s11], [sflag:$0x1], $0x10, s2, s11, $0xb8;
	[tilespmem:$0x6800] =	vst v63  }
0x2d: {  	_ =	swait.ge [sflag:s10], $0x800  }
0x2e: {  	s13 =	sadd.s32 $0x1, s13;
	[sflag:s10] =	ssyncset.done $0x0  }
0x2f: {  	p0 =	sne.s32 s13, s7;
	[sflag:s10] =	ssyncadd.s32 $0xFFFFF800  }
.Ltmp1:
0x30: {  	[bflag:$0x0] =	sbarrier.arrive $0xFFFF;
	(pc) =	sbr.rel @p0 .LBB2_1-.Ltmp1, $4  }
0x31: {  	[hbm:s12], [sflag:s6] =	dma.local [spmem:s9], $0x2780  }
0x32: {  	_ =	swait.ge [sflag:s10], $0x2780  }
0x33: {  	[sflag:s10] =	ssyncset.done $0x0  }
0x34: {  	[sflag:s10] =	ssyncadd.s32 $0xFFFFD880  }
0x35: {  	_ =	sfence.sel $0x180000  }
0x36: {  	[bflag:$0x0] =	sbarrier.arrive $0xFFFF  }
0x37: {  	p0 =	sne.s32 s3, $0x0;
	_ =	strace $0x90000047  }
0x38: {  	s0 =	sadd.s32 @!p0 $0x100000, s0;
	[bflag:$0x2] =	sbarrier.arrive $0xFFFF  }
0x39: {  	[sflag:s0] =	ssyncadd.tile.s32 @!p0 $0x1;
	_ =	shalt  }
.Lfunc_end2:
_tile_overlayer_lowered:
.L_overlay_start_2:
0x3a: {  	(tag) =	ssettag $0x2  }
0x3b: {  	s0 =	rddreg [dreg:$0x0];
	s2 =	stileid.u32  }
0x3c: {  	s1 =	rddreg [dreg:$0x1];
	p0 =	sne.s32 s2, $0x0  }
0x3d: {  	s3 =	rddreg [dreg:$0x2];
	[bflag:$0x3] =	sbarrier.arrive $0xFFFF;
	s2 =	simm.s32 @!p0 $0x1C01  }
0x3e: {  	[timem:s3], [sflag:s2] =	dma.local @!p0 [hbm:s0], s1  }
0x3f: {  	s0 =	simm.s32 @!p0 $0x1  }
0x40: {  	_ =	swait.ge @!p0 [sflag:s0], s1  }
0x41: {  	s1 =	ssub.s32 @!p0 $0x0, s1;
	[sflag:s0] =	ssyncset.done @!p0 $0x0  }
0x42: {  	[sflag:s0] =	ssyncadd.s32 @!p0 s1  }
0x43: {  	[bflag:$0x3] =	sbarrier.arrive $0xFFFF  }
0x44: {  	_ =	shalt  }

</sc_bundles>
